<compile_context>
chip_gen: v7x
topology: tpu7x:2x2x1
jax: 0.10.2.dev20260603
libtpu: 0.0.44.dev20260713+nightly
codegen_flags: <defaults>
</compile_context>

<pallas_src>
import functools

import jax
import jax.numpy as jnp
from jax import lax
from jax.experimental import pallas as pl
from jax.experimental.pallas import tpu as pltpu
from jax.experimental.pallas import tpu_sc as plsc

N = 10000
E = 320000
D = 128
NC = 2
NS = 16
NW = NC * NS
B = 128
PB = 2560
PE = PB * B
NBW = PB // NW
RND = 40
HB = 64
NHB = NBW * 2
NP = 10240
NJ = N + 8
CH = 624
CHL = NJ - (NS - 1) * CH

_MESH = plsc.VectorSubcoreMesh(
    core_axis_name="c", subcore_axis_name="s", num_cores=NC, num_subcores=NS)



@functools.partial(
    pl.kernel,
    out_type=jax.ShapeDtypeStruct((NC * 2 * NP,), jnp.float32),
    mesh=_MESH,
    scratch_types=[
        pltpu.VMEM_SHARED((NP,), jnp.float32),
        pltpu.VMEM_SHARED((NP,), jnp.float32),
        pltpu.VMEM((NBW * B,), jnp.int32),
        pltpu.VMEM((NBW * B,), jnp.int32),
        pltpu.VMEM((B,), jnp.float32),
        pltpu.SemaphoreType.DMA,
        pltpu.SemaphoreType.DMA,
    ],
)
def _deg_kernel(src_hbm, dst_hbm, zeros_hbm, deg_hbm,
                dego_s, degi_s, sidx_v, didx_v, ones_v, sem0, sem1):
    c = lax.axis_index("c")
    s = lax.axis_index("s")
    wid = s * NC + c
    e0 = wid * NBW * B
    for j in range(B // 16):
        ones_v[pl.ds(16 * j, 16)] = jnp.full((16,), 1.0, jnp.float32)
    pltpu.async_copy(src_hbm.at[pl.ds(e0, NBW * B)], sidx_v, sem0).wait()
    pltpu.async_copy(dst_hbm.at[pl.ds(e0, NBW * B)], didx_v, sem1).wait()

    @pl.when(s == 0)
    def _init():
        pltpu.sync_copy(zeros_hbm, dego_s)
        pltpu.sync_copy(zeros_hbm, degi_s)

    plsc.subcore_barrier()

    def body(j, carry):
        o_copy = pltpu.make_async_copy(
            ones_v, dego_s.at[sidx_v.at[pl.ds(j * B, B)]], sem0)
        i_copy = pltpu.make_async_copy(
            ones_v, degi_s.at[didx_v.at[pl.ds(j * B, B)]], sem1)
        o_copy.start(add=True)
        i_copy.start(add=True)
        o_copy.wait()
        i_copy.wait()
        return carry

    lax.fori_loop(0, NBW, body, 0)
    plsc.subcore_barrier()

    @pl.when(s == 0)
    def _writeback():
        pltpu.sync_copy(dego_s, deg_hbm.at[pl.ds((c * 2 + 0) * NP, NP)])
        pltpu.sync_copy(degi_s, deg_hbm.at[pl.ds((c * 2 + 1) * NP, NP)])



@functools.partial(
    pl.kernel,
    out_type=jax.ShapeDtypeStruct((NC, N, D), jnp.float32),
    mesh=_MESH,
    scratch_types=[
        pltpu.VMEM_SHARED((NJ, D), jnp.float32),
        pltpu.VMEM((NBW * B,), jnp.int32),
        pltpu.VMEM((RND * B,), jnp.int32),
        pltpu.VMEM((B, D), jnp.float32),
        pltpu.VMEM((B, D), jnp.float32),
        pltpu.SemaphoreType.DMA,
        pltpu.SemaphoreType.DMA,
    ],
)
def _agg_kernel(featsrc_hbm, src_hbm, dst_hbm, zrows_hbm, acc_hbm,
                acc_s, sidx_v, didx_v, rows0_v, rows1_v, gsem0, gsem1):
    c = lax.axis_index("c")
    s = lax.axis_index("s")
    wid = s * NC + c
    r0 = s * CH
    e0 = wid * NBW * B
    pltpu.async_copy(src_hbm.at[pl.ds(e0, NBW * B)], sidx_v, gsem0)
    pltpu.async_copy(dst_hbm.at[pl.ds(e0, RND * B)], didx_v, gsem1)

    @pl.when(s < NS - 1)
    def _init_main():
        pltpu.sync_copy(zrows_hbm.at[pl.ds(0, CH)], acc_s.at[pl.ds(r0, CH)])

    @pl.when(s == NS - 1)
    def _init_last():
        pltpu.sync_copy(zrows_hbm, acc_s.at[pl.ds((NS - 1) * CH, CHL)])

    pltpu.make_async_copy(src_hbm.at[pl.ds(e0, NBW * B)],
                          sidx_v, gsem0).wait()
    pltpu.make_async_copy(dst_hbm.at[pl.ds(e0, RND * B)],
                          didx_v, gsem1).wait()
    plsc.subcore_barrier()

    def _gather(j, rows_v, gsem):
        return pltpu.make_async_copy(
            featsrc_hbm.at[sidx_v.at[pl.ds(j * B, B)]], rows_v, gsem)

    def _scatter(rows_v, jr):
        pltpu.sync_copy(rows_v, acc_s.at[didx_v.at[pl.ds(jr * B, B)]],
                        add=True)

    def _pair(base):
        def pair(k, carry):
            j0 = base + 2 * k
            _gather(j0, rows0_v, gsem0).wait()
            _gather(j0 + 1, rows1_v, gsem1).start()
            _scatter(rows0_v, j0 - base)
            _gather(j0 + 1, rows1_v, gsem1).wait()
            _gather(j0 + 2, rows0_v, gsem0).start()
            _scatter(rows1_v, j0 + 1 - base)
            return carry
        return pair

    _gather(0, rows0_v, gsem0).start()
    lax.fori_loop(0, RND // 2, _pair(0), 0)
    pltpu.sync_copy(dst_hbm.at[pl.ds(e0 + RND * B, (NBW - RND) * B)],
                    didx_v.at[pl.ds(0, (NBW - RND) * B)])
    lax.fori_loop(0, (NBW - RND - 2) // 2, _pair(RND), 0)
    _gather(NBW - 2, rows0_v, gsem0).wait()
    _gather(NBW - 1, rows1_v, gsem1).start()
    _scatter(rows0_v, NBW - 2 - RND)
    _gather(NBW - 1, rows1_v, gsem1).wait()
    _scatter(rows1_v, NBW - 1 - RND)

    plsc.subcore_barrier()

    @pl.when(s < NS - 1)
    def _wb_main():
        pltpu.sync_copy(acc_s.at[pl.ds(r0, CH)], acc_hbm.at[c, pl.ds(r0, CH)])

    @pl.when(s == NS - 1)
    def _wb_last():
        pltpu.sync_copy(acc_s.at[pl.ds((NS - 1) * CH, N - (NS - 1) * CH)],
                        acc_hbm.at[c, pl.ds((NS - 1) * CH, N - (NS - 1) * CH)])



RB = 1000


def _scale_body(feat_ref, deg_ref, out_ref):
    d = deg_ref[0, 0] + deg_ref[1, 0]
    norm = lax.rsqrt(jnp.maximum(d, 1.0))
    out_ref[...] = feat_ref[...] * norm


_scale = pl.pallas_call(
    _scale_body,
    grid=(N // RB,),
    in_specs=[
        pl.BlockSpec((RB, D), lambda i: (i, 0)),
        pl.BlockSpec((NC, 2, RB, 1), lambda i: (0, 0, i, 0)),
    ],
    out_specs=pl.BlockSpec((RB, D), lambda i: (i, 0)),
    out_shape=jax.ShapeDtypeStruct((N, D), jnp.float32),
)


def _proj_body(acc_ref, w_ref, b_ref, deg_ref, out_ref):
    a = acc_ref[0] + acc_ref[1]
    y = lax.dot_general(a, w_ref[...], (((1,), (1,)), ((), ())),
                        preferred_element_type=jnp.float32)
    d = deg_ref[0, 1] + deg_ref[1, 1]
    norm = lax.rsqrt(jnp.maximum(d, 1.0))
    out_ref[...] = (y + b_ref[...]) * norm


_proj = pl.pallas_call(
    _proj_body,
    grid=(N // RB,),
    in_specs=[
        pl.BlockSpec((NC, RB, D), lambda i: (0, i, 0)),
        pl.BlockSpec((D, D), lambda i: (0, 0)),
        pl.BlockSpec((1, D), lambda i: (0, 0)),
        pl.BlockSpec((NC, 2, RB, 1), lambda i: (0, 0, i, 0)),
    ],
    out_specs=pl.BlockSpec((RB, D), lambda i: (i, 0)),
    out_shape=jax.ShapeDtypeStruct((N, D), jnp.float32),
)


def kernel(feat, edge_index, W, b):
    edge_index = edge_index.astype(jnp.int32)
    src = edge_index[0]
    dst = edge_index[1]
    pad = jnp.full((PE - E,), N, jnp.int32)
    srcp = jnp.concatenate([src, jnp.zeros((PE - E,), jnp.int32)])
    srcd = jnp.concatenate([src, pad])
    dstp = jnp.concatenate([dst, pad])
    zeros_col = jnp.zeros((NP,), jnp.float32)
    zeros_rows = jnp.zeros((CHL, D), jnp.float32)
    degs = _deg_kernel(srcd, dstp, zeros_col).reshape(NC, 2, NP)[:, :, :N]
    degs = degs.reshape(NC, 2, N, 1)
    feat_src = _scale(feat, degs)
    acc = _agg_kernel(feat_src, srcp, dstp, zeros_rows)
    return _proj(acc, W, b.reshape(1, D), degs)

# --- scband reference (transcript-rebuilt; emitter-appended) ---
"""Pipeline reference for scband-graph-conv-18339510354235 (READ-ONLY COPY).

The authoritative reference and input builder live on the scoring server;
editing this copy changes nothing except your own understanding.
"""

import jax, jax.numpy as jnp
import numpy as np

N_NODES = 10000
N_EDGES = 320000
D_IN = 128
D_OUT = 128


def setup_inputs(seed: int = 0) -> dict:
    key = jax.random.key(seed)
    k1, k2, k3, k4 = jax.random.split(key, 4)
    feat = jax.random.normal(k1, (N_NODES, D_IN), dtype=jnp.float32)
    edge_index = jax.random.randint(k2, (2, N_EDGES), 0, N_NODES, dtype=jnp.int64)
    # nn.Linear(in_dim, out_dim) parameters (kaiming-uniform-ish init)
    bound = 1.0 / np.sqrt(D_IN)
    W = jax.random.uniform(k3, (D_OUT, D_IN), minval=-bound, maxval=bound, dtype=jnp.float32)
    b = jax.random.uniform(k4, (D_OUT,), minval=-bound, maxval=bound, dtype=jnp.float32)
    return {"feat": feat, "edge_index": edge_index, "W": W, "b": b}


def reference(feat, edge_index, W, b):
    src = edge_index[0]
    dst = edge_index[1]
    n = feat.shape[0]
    # out-degree normalization on source features: h_src = feat * deg_out^{-1/2}
    deg_out = jnp.bincount(src, length=n).astype(jnp.float32)
    deg_out = jnp.clip(deg_out, 1.0, None)
    norm_src = jnp.power(deg_out, -0.5)
    feat_src = feat * norm_src[:, None]
    # message passing: m = h_src[src]; sum-aggregate at dst (scatter-add / segment_sum)
    rst = jax.ops.segment_sum(feat_src[src], dst, num_segments=n)
    # linear projection
    rst = rst @ W.T + b
    # in-degree normalization: rst = rst * deg_in^{-1/2}
    deg_in = jnp.bincount(dst, length=n).astype(jnp.float32)
    deg_in = jnp.clip(deg_in, 1.0, None)
    norm_dst = jnp.power(deg_in, -0.5)
    rst = rst * norm_dst[:, None]
    return rst

if __name__ == "__main__":
    import jax
    _d = setup_inputs()
    print(jax.jit(kernel)(*tuple(_d.values())))

</pallas_src>

<mosaic_0001>
#map = affine_map<(d0, d1) -> (0, 0)>
#map1 = affine_map<(d0, d1) -> (0)>
#map2 = affine_map<(d0, d1) -> (0, 0, 0)>
module attributes {stable_mosaic.version = 14 : i64} {
  func.func @_agg_kernel(%arg0: i32, %arg1: i32, %arg2: memref<10000x128xf32, #tpu.memory_space<hbm>>, %arg3: memref<327680xi32, #tpu.memory_space<hbm>>, %arg4: memref<327680xi32, #tpu.memory_space<hbm>>, %arg5: memref<648x128xf32, #tpu.memory_space<hbm>>, %arg6: memref<2x10000x128xf32, #tpu.memory_space<hbm>>, %arg7: memref<10008x128xf32, #tpu.memory_space<vmem_shared>>, %arg8: memref<10240xi32, #tpu.memory_space<vmem>>, %arg9: memref<5120xi32, #tpu.memory_space<vmem>>, %arg10: memref<128x128xf32, #tpu.memory_space<vmem>>, %arg11: memref<128x128xf32, #tpu.memory_space<vmem>>, %arg12: memref<!tpu.dma_semaphore, #tpu.memory_space<semaphore_mem>>, %arg13: memref<!tpu.dma_semaphore, #tpu.memory_space<semaphore_mem>>) attributes {dimension_semantics = [#tpu.dimension_semantics<core_parallel>, #tpu.dimension_semantics<subcore_parallel>], iteration_bounds = array<i64: 2, 16>, scalar_prefetch = 0 : i64, scratch_operands = 7 : i64, tpu.core_type = #tpu.core_type<sc_vector_subcore>, window_params = [{transform_indices = #map}, {transform_indices = #map1}, {transform_indices = #map1}, {transform_indices = #map}, {transform_indices = #map2}]} {
    %mul3A = arith.constant 2 : i32
    %mul3A_0 = arith.muli %arg1, %mul3A : i32
    %add3A = arith.addi %mul3A_0, %arg0 : i32
    %mul3A_1 = arith.constant 624 : i32
    %mul3A_2 = arith.muli %arg1, %mul3A_1 : i32
    %mul3A_3 = arith.constant 80 : i32
    %mul3A_4 = arith.muli %add3A, %mul3A_3 : i32
    %mul3A_5 = arith.constant 128 : i32
    %mul3A_6 = arith.muli %mul3A_4, %mul3A_5 : i32
    %dma_start3A = tpu.memref_slice %arg3[%mul3A_6] : memref<327680xi32, #tpu.memory_space<hbm>> -> memref<10240xi32, #tpu.memory_space<hbm>>
    %dma_start3A_7 = tpu.memref_slice %arg3[%mul3A_6] : memref<327680xi32, #tpu.memory_space<hbm>> -> memref<10240xi32, #tpu.memory_space<hbm>>
    tpu.enqueue_dma source(%dma_start3A_7 : memref<10240xi32, #tpu.memory_space<hbm>>) target(%arg8 : memref<10240xi32, #tpu.memory_space<vmem>>) target_semaphore(%arg12 : memref<!tpu.dma_semaphore, #tpu.memory_space<semaphore_mem>>)
    %dma_start3A_8 = tpu.memref_slice %arg4[%mul3A_6] : memref<327680xi32, #tpu.memory_space<hbm>> -> memref<5120xi32, #tpu.memory_space<hbm>>
    %dma_start3A_9 = tpu.memref_slice %arg4[%mul3A_6] : memref<327680xi32, #tpu.memory_space<hbm>> -> memref<5120xi32, #tpu.memory_space<hbm>>
    tpu.enqueue_dma source(%dma_start3A_9 : memref<5120xi32, #tpu.memory_space<hbm>>) target(%arg9 : memref<5120xi32, #tpu.memory_space<vmem>>) target_semaphore(%arg13 : memref<!tpu.dma_semaphore, #tpu.memory_space<semaphore_mem>>)
    %lt3A = arith.constant 15 : i32
    %lt3A_10 = arith.cmpi slt, %arg1, %lt3A : i32
    %convert_element_type3A = arith.extui %lt3A_10 : i1 to i32
    %cond3A = arith.constant 0 : i32
    %cond3A_11 = arith.cmpi ne, %convert_element_type3A, %cond3A : i32
    scf.if %cond3A_11 {
      "tpu.region"() ({
        %run_scoped3A = tpu.sem_alloc : memref<!tpu.dma_semaphore, #tpu.memory_space<semaphore_mem>>
        %dma_start3A_63 = arith.constant 0 : i32
        %dma_start3A_64 = tpu.memref_slice %arg7[%mul3A_2, %dma_start3A_63] : memref<10008x128xf32, #tpu.memory_space<vmem_shared>> -> memref<624x128xf32, #tpu.memory_space<vmem_shared>>
        %dma_start3A_65 = arith.constant 0 : i32
        %dma_start3A_66 = arith.constant 0 : i32
        %dma_start3A_67 = tpu.memref_slice %arg5[%dma_start3A_65, %dma_start3A_66] : memref<648x128xf32, #tpu.memory_space<hbm>> -> memref<624x128xf32, #tpu.memory_space<hbm>>
        tpu.enqueue_dma source(%dma_start3A_67 : memref<624x128xf32, #tpu.memory_space<hbm>>) target(%dma_start3A_64 : memref<624x128xf32, #tpu.memory_space<vmem_shared>>) target_semaphore(%run_scoped3A : memref<!tpu.dma_semaphore, #tpu.memory_space<semaphore_mem>>)
        %dma_wait3A_68 = arith.constant 0 : i32
        %dma_wait3A_69 = tpu.memref_slice %arg7[%mul3A_2, %dma_wait3A_68] : memref<10008x128xf32, #tpu.memory_space<vmem_shared>> -> memref<624x128xf32, #tpu.memory_space<vmem_shared>>
        %dma_wait3A_70 = arith.constant 0 : i32
        %dma_wait3A_71 = arith.constant 0 : i32
        %dma_wait3A_72 = tpu.memref_slice %arg5[%dma_wait3A_70, %dma_wait3A_71] : memref<648x128xf32, #tpu.memory_space<hbm>> -> memref<624x128xf32, #tpu.memory_space<hbm>>
        tpu.wait_dma2 semaphore(%run_scoped3A : memref<!tpu.dma_semaphore, #tpu.memory_space<semaphore_mem>>) src(%dma_wait3A_72 : memref<624x128xf32, #tpu.memory_space<hbm>>) dst(%dma_wait3A_69 : memref<624x128xf32, #tpu.memory_space<vmem_shared>>)
        tpu.yield
      }) : () -> ()
    } else {
    }
    %eq3A = arith.constant 15 : i32
    %eq3A_12 = arith.cmpi eq, %arg1, %eq3A : i32
    %convert_element_type3A_13 = arith.extui %eq3A_12 : i1 to i32
    %cond3A_14 = arith.constant 0 : i32
    %cond3A_15 = arith.cmpi ne, %convert_element_type3A_13, %cond3A_14 : i32
    scf.if %cond3A_15 {
      "tpu.region"() ({
        %run_scoped3A = tpu.sem_alloc : memref<!tpu.dma_semaphore, #tpu.memory_space<semaphore_mem>>
        %dma_start3A_63 = arith.constant 9360 : i32
        %dma_start3A_64 = arith.constant 0 : i32
        %dma_start3A_65 = tpu.memref_slice %arg7[%dma_start3A_63, %dma_start3A_64] : memref<10008x128xf32, #tpu.memory_space<vmem_shared>> -> memref<648x128xf32, #tpu.memory_space<vmem_shared>>
        tpu.enqueue_dma source(%arg5 : memref<648x128xf32, #tpu.memory_space<hbm>>) target(%dma_start3A_65 : memref<648x128xf32, #tpu.memory_space<vmem_shared>>) target_semaphore(%run_scoped3A : memref<!tpu.dma_semaphore, #tpu.memory_space<semaphore_mem>>)
        %dma_wait3A_66 = arith.constant 9360 : i32
        %dma_wait3A_67 = arith.constant 0 : i32
        %dma_wait3A_68 = tpu.memref_slice %arg7[%dma_wait3A_66, %dma_wait3A_67] : memref<10008x128xf32, #tpu.memory_space<vmem_shared>> -> memref<648x128xf32, #tpu.memory_space<vmem_shared>>
        tpu.wait_dma2 semaphore(%run_scoped3A : memref<!tpu.dma_semaphore, #tpu.memory_space<semaphore_mem>>) src(%arg5 : memref<648x128xf32, #tpu.memory_space<hbm>>) dst(%dma_wait3A_68 : memref<648x128xf32, #tpu.memory_space<vmem_shared>>)
        tpu.yield
      }) : () -> ()
    } else {
    }
    %dma_wait3A = tpu.memref_slice %arg3[%mul3A_6] : memref<327680xi32, #tpu.memory_space<hbm>> -> memref<10240xi32, #tpu.memory_space<hbm>>
    %dma_wait3A_16 = tpu.memref_slice %arg3[%mul3A_6] : memref<327680xi32, #tpu.memory_space<hbm>> -> memref<10240xi32, #tpu.memory_space<hbm>>
    tpu.wait_dma2 semaphore(%arg12 : memref<!tpu.dma_semaphore, #tpu.memory_space<semaphore_mem>>) src(%dma_wait3A_16 : memref<10240xi32, #tpu.memory_space<hbm>>) dst(%arg8 : memref<10240xi32, #tpu.memory_space<vmem>>)
    %dma_wait3A_17 = tpu.memref_slice %arg4[%mul3A_6] : memref<327680xi32, #tpu.memory_space<hbm>> -> memref<5120xi32, #tpu.memory_space<hbm>>
    %dma_wait3A_18 = tpu.memref_slice %arg4[%mul3A_6] : memref<327680xi32, #tpu.memory_space<hbm>> -> memref<5120xi32, #tpu.memory_space<hbm>>
    tpu.wait_dma2 semaphore(%arg13 : memref<!tpu.dma_semaphore, #tpu.memory_space<semaphore_mem>>) src(%dma_wait3A_18 : memref<5120xi32, #tpu.memory_space<hbm>>) dst(%arg9 : memref<5120xi32, #tpu.memory_space<vmem>>)
    %barrier3A = arith.constant 0 : index
    tpu.barrier barrier_id(%barrier3A)
    %dma_start3A_19 = arith.constant 0 : i32
    %dma_start3A_20 = tpu.memref_slice %arg8[%dma_start3A_19] : memref<10240xi32, #tpu.memory_space<vmem>> -> memref<128xi32, #tpu.memory_space<vmem>>
    %dma_start3A_21 = arith.constant 0 : i32
    %dma_start3A_22 = arith.constant 0 : i32
    %dma_start3A_23 = tpu.memref_slice %arg2[%dma_start3A_21, %dma_start3A_22] : memref<10000x128xf32, #tpu.memory_space<hbm>> -> memref<10000x128xf32, #tpu.memory_space<hbm>>
    tpu.enqueue_indirect_dma source(%dma_start3A_23 : memref<10000x128xf32, #tpu.memory_space<hbm>>) target(%arg10 : memref<128x128xf32, #tpu.memory_space<vmem>>) offsets(%dma_start3A_20 : memref<128xi32, #tpu.memory_space<vmem>>) semaphore(%arg12 : memref<!tpu.dma_semaphore, #tpu.memory_space<semaphore_mem>>)
    %scan3A = arith.constant 0 : i32
    %scan3A_24 = arith.constant 0 : i32
    %scan3A_25 = arith.constant 20 : i32
    %scan3A_26 = arith.addi %scan3A_24, %scan3A_25 : i32
    %scan3A_27 = arith.constant 1 : i32
    scf.for %scan3A_63 = %scan3A_24 to %scan3A_26 step %scan3A_27  : i32 {
      %mul3A_64 = arith.constant 2 : i32
      %mul3A_65 = arith.muli %mul3A_64, %scan3A_63 : i32
      %add3A_66 = arith.constant 0 : i32
      %add3A_67 = arith.addi %add3A_66, %mul3A_65 : i32
      %mul3A_68 = arith.constant 128 : i32
      %mul3A_69 = arith.muli %add3A_67, %mul3A_68 : i32
      %dma_wait3A_70 = tpu.memref_slice %arg8[%mul3A_69] : memref<10240xi32, #tpu.memory_space<vmem>> -> memref<128xi32, #tpu.memory_space<vmem>>
      %dma_wait3A_71 = arith.constant 0 : i32
      %dma_wait3A_72 = arith.constant 0 : i32
      %dma_wait3A_73 = tpu.memref_slice %arg2[%dma_wait3A_71, %dma_wait3A_72] : memref<10000x128xf32, #tpu.memory_space<hbm>> -> memref<10000x128xf32, #tpu.memory_space<hbm>>
      tpu.wait_indirect_dma semaphore(%arg12 : memref<!tpu.dma_semaphore, #tpu.memory_space<semaphore_mem>>) src(%dma_wait3A_73 : memref<10000x128xf32, #tpu.memory_space<hbm>>) dst(%arg10 : memref<128x128xf32, #tpu.memory_space<vmem>>)
      %add3A_74 = arith.constant 1 : i32
      %add3A_75 = arith.addi %add3A_67, %add3A_74 : i32
      %mul3A_76 = arith.constant 128 : i32
      %mul3A_77 = arith.muli %add3A_75, %mul3A_76 : i32
      %dma_start3A_78 = tpu.memref_slice %arg8[%mul3A_77] : memref<10240xi32, #tpu.memory_space<vmem>> -> memref<128xi32, #tpu.memory_space<vmem>>
      %dma_start3A_79 = arith.constant 0 : i32
      %dma_start3A_80 = arith.constant 0 : i32
      %dma_start3A_81 = tpu.memref_slice %arg2[%dma_start3A_79, %dma_start3A_80] : memref<10000x128xf32, #tpu.memory_space<hbm>> -> memref<10000x128xf32, #tpu.memory_space<hbm>>
      tpu.enqueue_indirect_dma source(%dma_start3A_81 : memref<10000x128xf32, #tpu.memory_space<hbm>>) target(%arg11 : memref<128x128xf32, #tpu.memory_space<vmem>>) offsets(%dma_start3A_78 : memref<128xi32, #tpu.memory_space<vmem>>) semaphore(%arg13 : memref<!tpu.dma_semaphore, #tpu.memory_space<semaphore_mem>>)
      %sub3A = arith.constant 0 : i32
      %sub3A_82 = arith.subi %add3A_67, %sub3A : i32
      %mul3A_83 = arith.constant 128 : i32
      %mul3A_84 = arith.muli %sub3A_82, %mul3A_83 : i32
      "tpu.region"() ({
        %run_scoped3A = tpu.sem_alloc : memref<!tpu.dma_semaphore, #tpu.memory_space<semaphore_mem>>
        %dma_start3A_107 = tpu.memref_slice %arg9[%mul3A_84] : memref<5120xi32, #tpu.memory_space<vmem>> -> memref<128xi32, #tpu.memory_space<vmem>>
        %dma_start3A_108 = arith.constant 0 : i32
        %dma_start3A_109 = arith.constant 0 : i32
        %dma_start3A_110 = tpu.memref_slice %arg7[%dma_start3A_108, %dma_start3A_109] : memref<10008x128xf32, #tpu.memory_space<vmem_shared>> -> memref<10008x128xf32, #tpu.memory_space<vmem_shared>>
        tpu.enqueue_indirect_dma source(%arg10 : memref<128x128xf32, #tpu.memory_space<vmem>>) target(%dma_start3A_110 : memref<10008x128xf32, #tpu.memory_space<vmem_shared>>) offsets(%dma_start3A_107 : memref<128xi32, #tpu.memory_space<vmem>>) semaphore(%run_scoped3A : memref<!tpu.dma_semaphore, #tpu.memory_space<semaphore_mem>>) {add = true}
        %dma_wait3A_111 = tpu.memref_slice %arg9[%mul3A_84] : memref<5120xi32, #tpu.memory_space<vmem>> -> memref<128xi32, #tpu.memory_space<vmem>>
        %dma_wait3A_112 = arith.constant 0 : i32
        %dma_wait3A_113 = arith.constant 0 : i32
        %dma_wait3A_114 = tpu.memref_slice %arg7[%dma_wait3A_112, %dma_wait3A_113] : memref<10008x128xf32, #tpu.memory_space<vmem_shared>> -> memref<10008x128xf32, #tpu.memory_space<vmem_shared>>
        tpu.wait_indirect_dma semaphore(%run_scoped3A : memref<!tpu.dma_semaphore, #tpu.memory_space<semaphore_mem>>) src(%arg10 : memref<128x128xf32, #tpu.memory_space<vmem>>) dst(%dma_wait3A_114 : memref<10008x128xf32, #tpu.memory_space<vmem_shared>>)
        tpu.yield
      }) : () -> ()
      %add3A_85 = arith.constant 1 : i32
      %add3A_86 = arith.addi %add3A_67, %add3A_85 : i32
      %mul3A_87 = arith.constant 128 : i32
      %mul3A_88 = arith.muli %add3A_86, %mul3A_87 : i32
      %dma_wait3A_89 = tpu.memref_slice %arg8[%mul3A_88] : memref<10240xi32, #tpu.memory_space<vmem>> -> memref<128xi32, #tpu.memory_space<vmem>>
      %dma_wait3A_90 = arith.constant 0 : i32
      %dma_wait3A_91 = arith.constant 0 : i32
      %dma_wait3A_92 = tpu.memref_slice %arg2[%dma_wait3A_90, %dma_wait3A_91] : memref<10000x128xf32, #tpu.memory_space<hbm>> -> memref<10000x128xf32, #tpu.memory_space<hbm>>
      tpu.wait_indirect_dma semaphore(%arg13 : memref<!tpu.dma_semaphore, #tpu.memory_space<semaphore_mem>>) src(%dma_wait3A_92 : memref<10000x128xf32, #tpu.memory_space<hbm>>) dst(%arg11 : memref<128x128xf32, #tpu.memory_space<vmem>>)
      %add3A_93 = arith.constant 2 : i32
      %add3A_94 = arith.addi %add3A_67, %add3A_93 : i32
      %mul3A_95 = arith.constant 128 : i32
      %mul3A_96 = arith.muli %add3A_94, %mul3A_95 : i32
      %dma_start3A_97 = tpu.memref_slice %arg8[%mul3A_96] : memref<10240xi32, #tpu.memory_space<vmem>> -> memref<128xi32, #tpu.memory_space<vmem>>
      %dma_start3A_98 = arith.constant 0 : i32
      %dma_start3A_99 = arith.constant 0 : i32
      %dma_start3A_100 = tpu.memref_slice %arg2[%dma_start3A_98, %dma_start3A_99] : memref<10000x128xf32, #tpu.memory_space<hbm>> -> memref<10000x128xf32, #tpu.memory_space<hbm>>
      tpu.enqueue_indirect_dma source(%dma_start3A_100 : memref<10000x128xf32, #tpu.memory_space<hbm>>) target(%arg10 : memref<128x128xf32, #tpu.memory_space<vmem>>) offsets(%dma_start3A_97 : memref<128xi32, #tpu.memory_space<vmem>>) semaphore(%arg12 : memref<!tpu.dma_semaphore, #tpu.memory_space<semaphore_mem>>)
      %add3A_101 = arith.constant 1 : i32
      %add3A_102 = arith.addi %add3A_67, %add3A_101 : i32
      %sub3A_103 = arith.constant 0 : i32
      %sub3A_104 = arith.subi %add3A_102, %sub3A_103 : i32
      %mul3A_105 = arith.constant 128 : i32
      %mul3A_106 = arith.muli %sub3A_104, %mul3A_105 : i32
      "tpu.region"() ({
        %run_scoped3A = tpu.sem_alloc : memref<!tpu.dma_semaphore, #tpu.memory_space<semaphore_mem>>
        %dma_start3A_107 = tpu.memref_slice %arg9[%mul3A_106] : memref<5120xi32, #tpu.memory_space<vmem>> -> memref<128xi32, #tpu.memory_space<vmem>>
        %dma_start3A_108 = arith.constant 0 : i32
        %dma_start3A_109 = arith.constant 0 : i32
        %dma_start3A_110 = tpu.memref_slice %arg7[%dma_start3A_108, %dma_start3A_109] : memref<10008x128xf32, #tpu.memory_space<vmem_shared>> -> memref<10008x128xf32, #tpu.memory_space<vmem_shared>>
        tpu.enqueue_indirect_dma source(%arg11 : memref<128x128xf32, #tpu.memory_space<vmem>>) target(%dma_start3A_110 : memref<10008x128xf32, #tpu.memory_space<vmem_shared>>) offsets(%dma_start3A_107 : memref<128xi32, #tpu.memory_space<vmem>>) semaphore(%run_scoped3A : memref<!tpu.dma_semaphore, #tpu.memory_space<semaphore_mem>>) {add = true}
        %dma_wait3A_111 = tpu.memref_slice %arg9[%mul3A_106] : memref<5120xi32, #tpu.memory_space<vmem>> -> memref<128xi32, #tpu.memory_space<vmem>>
        %dma_wait3A_112 = arith.constant 0 : i32
        %dma_wait3A_113 = arith.constant 0 : i32
        %dma_wait3A_114 = tpu.memref_slice %arg7[%dma_wait3A_112, %dma_wait3A_113] : memref<10008x128xf32, #tpu.memory_space<vmem_shared>> -> memref<10008x128xf32, #tpu.memory_space<vmem_shared>>
        tpu.wait_indirect_dma semaphore(%run_scoped3A : memref<!tpu.dma_semaphore, #tpu.memory_space<semaphore_mem>>) src(%arg11 : memref<128x128xf32, #tpu.memory_space<vmem>>) dst(%dma_wait3A_114 : memref<10008x128xf32, #tpu.memory_space<vmem_shared>>)
        tpu.yield
      }) : () -> ()
    }
    %scan3A_28 = arith.constant 20 : i32
    %add3A_29 = arith.constant 5120 : i32
    %add3A_30 = arith.addi %mul3A_6, %add3A_29 : i32
    "tpu.region"() ({
      %run_scoped3A = tpu.sem_alloc : memref<!tpu.dma_semaphore, #tpu.memory_space<semaphore_mem>>
      %dma_start3A_63 = arith.constant 0 : i32
      %dma_start3A_64 = tpu.memref_slice %arg9[%dma_start3A_63] : memref<5120xi32, #tpu.memory_space<vmem>> -> memref<5120xi32, #tpu.memory_space<vmem>>
      %dma_start3A_65 = tpu.memref_slice %arg4[%add3A_30] : memref<327680xi32, #tpu.memory_space<hbm>> -> memref<5120xi32, #tpu.memory_space<hbm>>
      %dma_start3A_66 = arith.constant 0 : i32
      %dma_start3A_67 = tpu.memref_slice %arg9[%dma_start3A_66] : memref<5120xi32, #tpu.memory_space<vmem>> -> memref<5120xi32, #tpu.memory_space<vmem>>
      %dma_start3A_68 = tpu.memref_slice %arg4[%add3A_30] : memref<327680xi32, #tpu.memory_space<hbm>> -> memref<5120xi32, #tpu.memory_space<hbm>>
      tpu.enqueue_dma source(%dma_start3A_68 : memref<5120xi32, #tpu.memory_space<hbm>>) target(%dma_start3A_67 : memref<5120xi32, #tpu.memory_space<vmem>>) target_semaphore(%run_scoped3A : memref<!tpu.dma_semaphore, #tpu.memory_space<semaphore_mem>>)
      %dma_wait3A_69 = arith.constant 0 : i32
      %dma_wait3A_70 = tpu.memref_slice %arg9[%dma_wait3A_69] : memref<5120xi32, #tpu.memory_space<vmem>> -> memref<5120xi32, #tpu.memory_space<vmem>>
      %dma_wait3A_71 = tpu.memref_slice %arg4[%add3A_30] : memref<327680xi32, #tpu.memory_space<hbm>> -> memref<5120xi32, #tpu.memory_space<hbm>>
      %dma_wait3A_72 = arith.constant 0 : i32
      %dma_wait3A_73 = tpu.memref_slice %arg9[%dma_wait3A_72] : memref<5120xi32, #tpu.memory_space<vmem>> -> memref<5120xi32, #tpu.memory_space<vmem>>
      %dma_wait3A_74 = tpu.memref_slice %arg4[%add3A_30] : memref<327680xi32, #tpu.memory_space<hbm>> -> memref<5120xi32, #tpu.memory_space<hbm>>
      tpu.wait_dma2 semaphore(%run_scoped3A : memref<!tpu.dma_semaphore, #tpu.memory_space<semaphore_mem>>) src(%dma_wait3A_74 : memref<5120xi32, #tpu.memory_space<hbm>>) dst(%dma_wait3A_73 : memref<5120xi32, #tpu.memory_space<vmem>>)
      tpu.yield
    }) : () -> ()
    %scan3A_31 = arith.constant 0 : i32
    %scan3A_32 = arith.constant 0 : i32
    %scan3A_33 = arith.constant 19 : i32
    %scan3A_34 = arith.addi %scan3A_32, %scan3A_33 : i32
    %scan3A_35 = arith.constant 1 : i32
    scf.for %scan3A_63 = %scan3A_32 to %scan3A_34 step %scan3A_35  : i32 {
      %mul3A_64 = arith.constant 2 : i32
      %mul3A_65 = arith.muli %mul3A_64, %scan3A_63 : i32
      %add3A_66 = arith.constant 40 : i32
      %add3A_67 = arith.addi %add3A_66, %mul3A_65 : i32
      %mul3A_68 = arith.constant 128 : i32
      %mul3A_69 = arith.muli %add3A_67, %mul3A_68 : i32
      %dma_wait3A_70 = tpu.memref_slice %arg8[%mul3A_69] : memref<10240xi32, #tpu.memory_space<vmem>> -> memref<128xi32, #tpu.memory_space<vmem>>
      %dma_wait3A_71 = arith.constant 0 : i32
      %dma_wait3A_72 = arith.constant 0 : i32
      %dma_wait3A_73 = tpu.memref_slice %arg2[%dma_wait3A_71, %dma_wait3A_72] : memref<10000x128xf32, #tpu.memory_space<hbm>> -> memref<10000x128xf32, #tpu.memory_space<hbm>>
      tpu.wait_indirect_dma semaphore(%arg12 : memref<!tpu.dma_semaphore, #tpu.memory_space<semaphore_mem>>) src(%dma_wait3A_73 : memref<10000x128xf32, #tpu.memory_space<hbm>>) dst(%arg10 : memref<128x128xf32, #tpu.memory_space<vmem>>)
      %add3A_74 = arith.constant 1 : i32
      %add3A_75 = arith.addi %add3A_67, %add3A_74 : i32
      %mul3A_76 = arith.constant 128 : i32
      %mul3A_77 = arith.muli %add3A_75, %mul3A_76 : i32
      %dma_start3A_78 = tpu.memref_slice %arg8[%mul3A_77] : memref<10240xi32, #tpu.memory_space<vmem>> -> memref<128xi32, #tpu.memory_space<vmem>>
      %dma_start3A_79 = arith.constant 0 : i32
      %dma_start3A_80 = arith.constant 0 : i32
      %dma_start3A_81 = tpu.memref_slice %arg2[%dma_start3A_79, %dma_start3A_80] : memref<10000x128xf32, #tpu.memory_space<hbm>> -> memref<10000x128xf32, #tpu.memory_space<hbm>>
      tpu.enqueue_indirect_dma source(%dma_start3A_81 : memref<10000x128xf32, #tpu.memory_space<hbm>>) target(%arg11 : memref<128x128xf32, #tpu.memory_space<vmem>>) offsets(%dma_start3A_78 : memref<128xi32, #tpu.memory_space<vmem>>) semaphore(%arg13 : memref<!tpu.dma_semaphore, #tpu.memory_space<semaphore_mem>>)
      %sub3A = arith.constant 40 : i32
      %sub3A_82 = arith.subi %add3A_67, %sub3A : i32
      %mul3A_83 = arith.constant 128 : i32
      %mul3A_84 = arith.muli %sub3A_82, %mul3A_83 : i32
      "tpu.region"() ({
        %run_scoped3A = tpu.sem_alloc : memref<!tpu.dma_semaphore, #tpu.memory_space<semaphore_mem>>
        %dma_start3A_107 = tpu.memref_slice %arg9[%mul3A_84] : memref<5120xi32, #tpu.memory_space<vmem>> -> memref<128xi32, #tpu.memory_space<vmem>>
        %dma_start3A_108 = arith.constant 0 : i32
        %dma_start3A_109 = arith.constant 0 : i32
        %dma_start3A_110 = tpu.memref_slice %arg7[%dma_start3A_108, %dma_start3A_109] : memref<10008x128xf32, #tpu.memory_space<vmem_shared>> -> memref<10008x128xf32, #tpu.memory_space<vmem_shared>>
        tpu.enqueue_indirect_dma source(%arg10 : memref<128x128xf32, #tpu.memory_space<vmem>>) target(%dma_start3A_110 : memref<10008x128xf32, #tpu.memory_space<vmem_shared>>) offsets(%dma_start3A_107 : memref<128xi32, #tpu.memory_space<vmem>>) semaphore(%run_scoped3A : memref<!tpu.dma_semaphore, #tpu.memory_space<semaphore_mem>>) {add = true}
        %dma_wait3A_111 = tpu.memref_slice %arg9[%mul3A_84] : memref<5120xi32, #tpu.memory_space<vmem>> -> memref<128xi32, #tpu.memory_space<vmem>>
        %dma_wait3A_112 = arith.constant 0 : i32
        %dma_wait3A_113 = arith.constant 0 : i32
        %dma_wait3A_114 = tpu.memref_slice %arg7[%dma_wait3A_112, %dma_wait3A_113] : memref<10008x128xf32, #tpu.memory_space<vmem_shared>> -> memref<10008x128xf32, #tpu.memory_space<vmem_shared>>
        tpu.wait_indirect_dma semaphore(%run_scoped3A : memref<!tpu.dma_semaphore, #tpu.memory_space<semaphore_mem>>) src(%arg10 : memref<128x128xf32, #tpu.memory_space<vmem>>) dst(%dma_wait3A_114 : memref<10008x128xf32, #tpu.memory_space<vmem_shared>>)
        tpu.yield
      }) : () -> ()
      %add3A_85 = arith.constant 1 : i32
      %add3A_86 = arith.addi %add3A_67, %add3A_85 : i32
      %mul3A_87 = arith.constant 128 : i32
      %mul3A_88 = arith.muli %add3A_86, %mul3A_87 : i32
      %dma_wait3A_89 = tpu.memref_slice %arg8[%mul3A_88] : memref<10240xi32, #tpu.memory_space<vmem>> -> memref<128xi32, #tpu.memory_space<vmem>>
      %dma_wait3A_90 = arith.constant 0 : i32
      %dma_wait3A_91 = arith.constant 0 : i32
      %dma_wait3A_92 = tpu.memref_slice %arg2[%dma_wait3A_90, %dma_wait3A_91] : memref<10000x128xf32, #tpu.memory_space<hbm>> -> memref<10000x128xf32, #tpu.memory_space<hbm>>
      tpu.wait_indirect_dma semaphore(%arg13 : memref<!tpu.dma_semaphore, #tpu.memory_space<semaphore_mem>>) src(%dma_wait3A_92 : memref<10000x128xf32, #tpu.memory_space<hbm>>) dst(%arg11 : memref<128x128xf32, #tpu.memory_space<vmem>>)
      %add3A_93 = arith.constant 2 : i32
      %add3A_94 = arith.addi %add3A_67, %add3A_93 : i32
      %mul3A_95 = arith.constant 128 : i32
      %mul3A_96 = arith.muli %add3A_94, %mul3A_95 : i32
      %dma_start3A_97 = tpu.memref_slice %arg8[%mul3A_96] : memref<10240xi32, #tpu.memory_space<vmem>> -> memref<128xi32, #tpu.memory_space<vmem>>
      %dma_start3A_98 = arith.constant 0 : i32
      %dma_start3A_99 = arith.constant 0 : i32
      %dma_start3A_100 = tpu.memref_slice %arg2[%dma_start3A_98, %dma_start3A_99] : memref<10000x128xf32, #tpu.memory_space<hbm>> -> memref<10000x128xf32, #tpu.memory_space<hbm>>
      tpu.enqueue_indirect_dma source(%dma_start3A_100 : memref<10000x128xf32, #tpu.memory_space<hbm>>) target(%arg10 : memref<128x128xf32, #tpu.memory_space<vmem>>) offsets(%dma_start3A_97 : memref<128xi32, #tpu.memory_space<vmem>>) semaphore(%arg12 : memref<!tpu.dma_semaphore, #tpu.memory_space<semaphore_mem>>)
      %add3A_101 = arith.constant 1 : i32
      %add3A_102 = arith.addi %add3A_67, %add3A_101 : i32
      %sub3A_103 = arith.constant 40 : i32
      %sub3A_104 = arith.subi %add3A_102, %sub3A_103 : i32
      %mul3A_105 = arith.constant 128 : i32
      %mul3A_106 = arith.muli %sub3A_104, %mul3A_105 : i32
      "tpu.region"() ({
        %run_scoped3A = tpu.sem_alloc : memref<!tpu.dma_semaphore, #tpu.memory_space<semaphore_mem>>
        %dma_start3A_107 = tpu.memref_slice %arg9[%mul3A_106] : memref<5120xi32, #tpu.memory_space<vmem>> -> memref<128xi32, #tpu.memory_space<vmem>>
        %dma_start3A_108 = arith.constant 0 : i32
        %dma_start3A_109 = arith.constant 0 : i32
        %dma_start3A_110 = tpu.memref_slice %arg7[%dma_start3A_108, %dma_start3A_109] : memref<10008x128xf32, #tpu.memory_space<vmem_shared>> -> memref<10008x128xf32, #tpu.memory_space<vmem_shared>>
        tpu.enqueue_indirect_dma source(%arg11 : memref<128x128xf32, #tpu.memory_space<vmem>>) target(%dma_start3A_110 : memref<10008x128xf32, #tpu.memory_space<vmem_shared>>) offsets(%dma_start3A_107 : memref<128xi32, #tpu.memory_space<vmem>>) semaphore(%run_scoped3A : memref<!tpu.dma_semaphore, #tpu.memory_space<semaphore_mem>>) {add = true}
        %dma_wait3A_111 = tpu.memref_slice %arg9[%mul3A_106] : memref<5120xi32, #tpu.memory_space<vmem>> -> memref<128xi32, #tpu.memory_space<vmem>>
        %dma_wait3A_112 = arith.constant 0 : i32
        %dma_wait3A_113 = arith.constant 0 : i32
        %dma_wait3A_114 = tpu.memref_slice %arg7[%dma_wait3A_112, %dma_wait3A_113] : memref<10008x128xf32, #tpu.memory_space<vmem_shared>> -> memref<10008x128xf32, #tpu.memory_space<vmem_shared>>
        tpu.wait_indirect_dma semaphore(%run_scoped3A : memref<!tpu.dma_semaphore, #tpu.memory_space<semaphore_mem>>) src(%arg11 : memref<128x128xf32, #tpu.memory_space<vmem>>) dst(%dma_wait3A_114 : memref<10008x128xf32, #tpu.memory_space<vmem_shared>>)
        tpu.yield
      }) : () -> ()
    }
    %scan3A_36 = arith.constant 19 : i32
    %dma_wait3A_37 = arith.constant 9984 : i32
    %dma_wait3A_38 = tpu.memref_slice %arg8[%dma_wait3A_37] : memref<10240xi32, #tpu.memory_space<vmem>> -> memref<128xi32, #tpu.memory_space<vmem>>
    %dma_wait3A_39 = arith.constant 0 : i32
    %dma_wait3A_40 = arith.constant 0 : i32
    %dma_wait3A_41 = tpu.memref_slice %arg2[%dma_wait3A_39, %dma_wait3A_40] : memref<10000x128xf32, #tpu.memory_space<hbm>> -> memref<10000x128xf32, #tpu.memory_space<hbm>>
    tpu.wait_indirect_dma semaphore(%arg12 : memref<!tpu.dma_semaphore, #tpu.memory_space<semaphore_mem>>) src(%dma_wait3A_41 : memref<10000x128xf32, #tpu.memory_space<hbm>>) dst(%arg10 : memref<128x128xf32, #tpu.memory_space<vmem>>)
    %dma_start3A_42 = arith.constant 10112 : i32
    %dma_start3A_43 = tpu.memref_slice %arg8[%dma_start3A_42] : memref<10240xi32, #tpu.memory_space<vmem>> -> memref<128xi32, #tpu.memory_space<vmem>>
    %dma_start3A_44 = arith.constant 0 : i32
    %dma_start3A_45 = arith.constant 0 : i32
    %dma_start3A_46 = tpu.memref_slice %arg2[%dma_start3A_44, %dma_start3A_45] : memref<10000x128xf32, #tpu.memory_space<hbm>> -> memref<10000x128xf32, #tpu.memory_space<hbm>>
    tpu.enqueue_indirect_dma source(%dma_start3A_46 : memref<10000x128xf32, #tpu.memory_space<hbm>>) target(%arg11 : memref<128x128xf32, #tpu.memory_space<vmem>>) offsets(%dma_start3A_43 : memref<128xi32, #tpu.memory_space<vmem>>) semaphore(%arg13 : memref<!tpu.dma_semaphore, #tpu.memory_space<semaphore_mem>>)
    "tpu.region"() ({
      %run_scoped3A = tpu.sem_alloc : memref<!tpu.dma_semaphore, #tpu.memory_space<semaphore_mem>>
      %dma_start3A_63 = arith.constant 4864 : i32
      %dma_start3A_64 = tpu.memref_slice %arg9[%dma_start3A_63] : memref<5120xi32, #tpu.memory_space<vmem>> -> memref<128xi32, #tpu.memory_space<vmem>>
      %dma_start3A_65 = arith.constant 0 : i32
      %dma_start3A_66 = arith.constant 0 : i32
      %dma_start3A_67 = tpu.memref_slice %arg7[%dma_start3A_65, %dma_start3A_66] : memref<10008x128xf32, #tpu.memory_space<vmem_shared>> -> memref<10008x128xf32, #tpu.memory_space<vmem_shared>>
      tpu.enqueue_indirect_dma source(%arg10 : memref<128x128xf32, #tpu.memory_space<vmem>>) target(%dma_start3A_67 : memref<10008x128xf32, #tpu.memory_space<vmem_shared>>) offsets(%dma_start3A_64 : memref<128xi32, #tpu.memory_space<vmem>>) semaphore(%run_scoped3A : memref<!tpu.dma_semaphore, #tpu.memory_space<semaphore_mem>>) {add = true}
      %dma_wait3A_68 = arith.constant 4864 : i32
      %dma_wait3A_69 = tpu.memref_slice %arg9[%dma_wait3A_68] : memref<5120xi32, #tpu.memory_space<vmem>> -> memref<128xi32, #tpu.memory_space<vmem>>
      %dma_wait3A_70 = arith.constant 0 : i32
      %dma_wait3A_71 = arith.constant 0 : i32
      %dma_wait3A_72 = tpu.memref_slice %arg7[%dma_wait3A_70, %dma_wait3A_71] : memref<10008x128xf32, #tpu.memory_space<vmem_shared>> -> memref<10008x128xf32, #tpu.memory_space<vmem_shared>>
      tpu.wait_indirect_dma semaphore(%run_scoped3A : memref<!tpu.dma_semaphore, #tpu.memory_space<semaphore_mem>>) src(%arg10 : memref<128x128xf32, #tpu.memory_space<vmem>>) dst(%dma_wait3A_72 : memref<10008x128xf32, #tpu.memory_space<vmem_shared>>)
      tpu.yield
    }) : () -> ()
    %dma_wait3A_47 = arith.constant 10112 : i32
    %dma_wait3A_48 = tpu.memref_slice %arg8[%dma_wait3A_47] : memref<10240xi32, #tpu.memory_space<vmem>> -> memref<128xi32, #tpu.memory_space<vmem>>
    %dma_wait3A_49 = arith.constant 0 : i32
    %dma_wait3A_50 = arith.constant 0 : i32
    %dma_wait3A_51 = tpu.memref_slice %arg2[%dma_wait3A_49, %dma_wait3A_50] : memref<10000x128xf32, #tpu.memory_space<hbm>> -> memref<10000x128xf32, #tpu.memory_space<hbm>>
    tpu.wait_indirect_dma semaphore(%arg13 : memref<!tpu.dma_semaphore, #tpu.memory_space<semaphore_mem>>) src(%dma_wait3A_51 : memref<10000x128xf32, #tpu.memory_space<hbm>>) dst(%arg11 : memref<128x128xf32, #tpu.memory_space<vmem>>)
    "tpu.region"() ({
      %run_scoped3A = tpu.sem_alloc : memref<!tpu.dma_semaphore, #tpu.memory_space<semaphore_mem>>
      %dma_start3A_63 = arith.constant 4992 : i32
      %dma_start3A_64 = tpu.memref_slice %arg9[%dma_start3A_63] : memref<5120xi32, #tpu.memory_space<vmem>> -> memref<128xi32, #tpu.memory_space<vmem>>
      %dma_start3A_65 = arith.constant 0 : i32
      %dma_start3A_66 = arith.constant 0 : i32
      %dma_start3A_67 = tpu.memref_slice %arg7[%dma_start3A_65, %dma_start3A_66] : memref<10008x128xf32, #tpu.memory_space<vmem_shared>> -> memref<10008x128xf32, #tpu.memory_space<vmem_shared>>
      tpu.enqueue_indirect_dma source(%arg11 : memref<128x128xf32, #tpu.memory_space<vmem>>) target(%dma_start3A_67 : memref<10008x128xf32, #tpu.memory_space<vmem_shared>>) offsets(%dma_start3A_64 : memref<128xi32, #tpu.memory_space<vmem>>) semaphore(%run_scoped3A : memref<!tpu.dma_semaphore, #tpu.memory_space<semaphore_mem>>) {add = true}
      %dma_wait3A_68 = arith.constant 4992 : i32
      %dma_wait3A_69 = tpu.memref_slice %arg9[%dma_wait3A_68] : memref<5120xi32, #tpu.memory_space<vmem>> -> memref<128xi32, #tpu.memory_space<vmem>>
      %dma_wait3A_70 = arith.constant 0 : i32
      %dma_wait3A_71 = arith.constant 0 : i32
      %dma_wait3A_72 = tpu.memref_slice %arg7[%dma_wait3A_70, %dma_wait3A_71] : memref<10008x128xf32, #tpu.memory_space<vmem_shared>> -> memref<10008x128xf32, #tpu.memory_space<vmem_shared>>
      tpu.wait_indirect_dma semaphore(%run_scoped3A : memref<!tpu.dma_semaphore, #tpu.memory_space<semaphore_mem>>) src(%arg11 : memref<128x128xf32, #tpu.memory_space<vmem>>) dst(%dma_wait3A_72 : memref<10008x128xf32, #tpu.memory_space<vmem_shared>>)
      tpu.yield
    }) : () -> ()
    %barrier3A_52 = arith.constant 0 : index
    tpu.barrier barrier_id(%barrier3A_52)
    %lt3A_53 = arith.constant 15 : i32
    %lt3A_54 = arith.cmpi slt, %arg1, %lt3A_53 : i32
    %convert_element_type3A_55 = arith.extui %lt3A_54 : i1 to i32
    %cond3A_56 = arith.constant 0 : i32
    %cond3A_57 = arith.cmpi ne, %convert_element_type3A_55, %cond3A_56 : i32
    scf.if %cond3A_57 {
      "tpu.region"() ({
        %run_scoped3A = tpu.sem_alloc : memref<!tpu.dma_semaphore, #tpu.memory_space<semaphore_mem>>
        %dma_start3A_63 = arith.constant 0 : i32
        %dma_start3A_64 = tpu.memref_slice %arg6[%arg0, %mul3A_2, %dma_start3A_63] : memref<2x10000x128xf32, #tpu.memory_space<hbm>> -> memref<1x624x128xf32, #tpu.memory_space<hbm>>
        %dma_start3A_65 = tpu.memref_squeeze %dma_start3A_64 : memref<1x624x128xf32, #tpu.memory_space<hbm>> -> memref<624x128xf32, #tpu.memory_space<hbm>>
        %dma_start3A_66 = arith.constant 0 : i32
        %dma_start3A_67 = tpu.memref_slice %arg7[%mul3A_2, %dma_start3A_66] : memref<10008x128xf32, #tpu.memory_space<vmem_shared>> -> memref<624x128xf32, #tpu.memory_space<vmem_shared>>
        tpu.enqueue_dma source(%dma_start3A_67 : memref<624x128xf32, #tpu.memory_space<vmem_shared>>) target(%dma_start3A_65 : memref<624x128xf32, #tpu.memory_space<hbm>>) target_semaphore(%run_scoped3A : memref<!tpu.dma_semaphore, #tpu.memory_space<semaphore_mem>>)
        %dma_wait3A_68 = arith.constant 0 : i32
        %dma_wait3A_69 = tpu.memref_slice %arg6[%arg0, %mul3A_2, %dma_wait3A_68] : memref<2x10000x128xf32, #tpu.memory_space<hbm>> -> memref<1x624x128xf32, #tpu.memory_space<hbm>>
        %dma_wait3A_70 = tpu.memref_squeeze %dma_wait3A_69 : memref<1x624x128xf32, #tpu.memory_space<hbm>> -> memref<624x128xf32, #tpu.memory_space<hbm>>
        %dma_wait3A_71 = arith.constant 0 : i32
        %dma_wait3A_72 = tpu.memref_slice %arg7[%mul3A_2, %dma_wait3A_71] : memref<10008x128xf32, #tpu.memory_space<vmem_shared>> -> memref<624x128xf32, #tpu.memory_space<vmem_shared>>
        tpu.wait_dma2 semaphore(%run_scoped3A : memref<!tpu.dma_semaphore, #tpu.memory_space<semaphore_mem>>) src(%dma_wait3A_72 : memref<624x128xf32, #tpu.memory_space<vmem_shared>>) dst(%dma_wait3A_70 : memref<624x128xf32, #tpu.memory_space<hbm>>)
        tpu.yield
      }) : () -> ()
    } else {
    }
    %eq3A_58 = arith.constant 15 : i32
    %eq3A_59 = arith.cmpi eq, %arg1, %eq3A_58 : i32
    %convert_element_type3A_60 = arith.extui %eq3A_59 : i1 to i32
    %cond3A_61 = arith.constant 0 : i32
    %cond3A_62 = arith.cmpi ne, %convert_element_type3A_60, %cond3A_61 : i32
    scf.if %cond3A_62 {
      "tpu.region"() ({
        %run_scoped3A = tpu.sem_alloc : memref<!tpu.dma_semaphore, #tpu.memory_space<semaphore_mem>>
        %dma_start3A_63 = arith.constant 9360 : i32
        %dma_start3A_64 = arith.constant 0 : i32
        %dma_start3A_65 = tpu.memref_slice %arg6[%arg0, %dma_start3A_63, %dma_start3A_64] : memref<2x10000x128xf32, #tpu.memory_space<hbm>> -> memref<1x640x128xf32, #tpu.memory_space<hbm>>
        %dma_start3A_66 = tpu.memref_squeeze %dma_start3A_65 : memref<1x640x128xf32, #tpu.memory_space<hbm>> -> memref<640x128xf32, #tpu.memory_space<hbm>>
        %dma_start3A_67 = arith.constant 9360 : i32
        %dma_start3A_68 = arith.constant 0 : i32
        %dma_start3A_69 = tpu.memref_slice %arg7[%dma_start3A_67, %dma_start3A_68] : memref<10008x128xf32, #tpu.memory_space<vmem_shared>> -> memref<640x128xf32, #tpu.memory_space<vmem_shared>>
        tpu.enqueue_dma source(%dma_start3A_69 : memref<640x128xf32, #tpu.memory_space<vmem_shared>>) target(%dma_start3A_66 : memref<640x128xf32, #tpu.memory_space<hbm>>) target_semaphore(%run_scoped3A : memref<!tpu.dma_semaphore, #tpu.memory_space<semaphore_mem>>)
        %dma_wait3A_70 = arith.constant 9360 : i32
        %dma_wait3A_71 = arith.constant 0 : i32
        %dma_wait3A_72 = tpu.memref_slice %arg6[%arg0, %dma_wait3A_70, %dma_wait3A_71] : memref<2x10000x128xf32, #tpu.memory_space<hbm>> -> memref<1x640x128xf32, #tpu.memory_space<hbm>>
        %dma_wait3A_73 = tpu.memref_squeeze %dma_wait3A_72 : memref<1x640x128xf32, #tpu.memory_space<hbm>> -> memref<640x128xf32, #tpu.memory_space<hbm>>
        %dma_wait3A_74 = arith.constant 9360 : i32
        %dma_wait3A_75 = arith.constant 0 : i32
        %dma_wait3A_76 = tpu.memref_slice %arg7[%dma_wait3A_74, %dma_wait3A_75] : memref<10008x128xf32, #tpu.memory_space<vmem_shared>> -> memref<640x128xf32, #tpu.memory_space<vmem_shared>>
        tpu.wait_dma2 semaphore(%run_scoped3A : memref<!tpu.dma_semaphore, #tpu.memory_space<semaphore_mem>>) src(%dma_wait3A_76 : memref<640x128xf32, #tpu.memory_space<vmem_shared>>) dst(%dma_wait3A_73 : memref<640x128xf32, #tpu.memory_space<hbm>>)
        tpu.yield
      }) : () -> ()
    } else {
    }
    return
  }
}

#map = affine_map<(d0, d1) -> (0)>
module attributes {stable_mosaic.version = 14 : i64} {
  func.func @_deg_kernel(%arg0: i32, %arg1: i32, %arg2: memref<327680xi32, #tpu.memory_space<hbm>>, %arg3: memref<327680xi32, #tpu.memory_space<hbm>>, %arg4: memref<10240xf32, #tpu.memory_space<hbm>>, %arg5: memref<40960xf32, #tpu.memory_space<hbm>>, %arg6: memref<10240xf32, #tpu.memory_space<vmem_shared>>, %arg7: memref<10240xf32, #tpu.memory_space<vmem_shared>>, %arg8: memref<10240xi32, #tpu.memory_space<vmem>>, %arg9: memref<10240xi32, #tpu.memory_space<vmem>>, %arg10: memref<128xf32, #tpu.memory_space<vmem>>, %arg11: memref<!tpu.dma_semaphore, #tpu.memory_space<semaphore_mem>>, %arg12: memref<!tpu.dma_semaphore, #tpu.memory_space<semaphore_mem>>) attributes {dimension_semantics = [#tpu.dimension_semantics<core_parallel>, #tpu.dimension_semantics<subcore_parallel>], iteration_bounds = array<i64: 2, 16>, scalar_prefetch = 0 : i64, scratch_operands = 7 : i64, tpu.core_type = #tpu.core_type<sc_vector_subcore>, window_params = [{transform_indices = #map}, {transform_indices = #map}, {transform_indices = #map}, {transform_indices = #map}]} {
    %mul3A = arith.constant 2 : i32
    %mul3A_0 = arith.muli %arg1, %mul3A : i32
    %add3A = arith.addi %mul3A_0, %arg0 : i32
    %mul3A_1 = arith.constant 80 : i32
    %mul3A_2 = arith.muli %add3A, %mul3A_1 : i32
    %mul3A_3 = arith.constant 128 : i32
    %mul3A_4 = arith.muli %mul3A_2, %mul3A_3 : i32
    %broadcast_in_dim3A = arith.constant 1.000000e+00 : f32
    %broadcast_in_dim3A_5 = vector.broadcast %broadcast_in_dim3A : f32 to vector<16xf32>
    %swap3A = arith.constant 0 : index
    %swap3A_6 = tpu.vector_load %arg10[%swap3A] {strides = array<i32>} : memref<128xf32, #tpu.memory_space<vmem>>, vector<16xf32>,
    %swap3A_7 = vector.shape_cast %swap3A_6 : vector<16xf32> to vector<16xf32>
    %swap3A_8 = vector.shape_cast %broadcast_in_dim3A_5 : vector<16xf32> to vector<16xf32>
    tpu.vector_store %arg10[%swap3A], %swap3A_8 {strides = array<i32>} : memref<128xf32, #tpu.memory_space<vmem>>, vector<16xf32>,
    %broadcast_in_dim3A_9 = arith.constant 1.000000e+00 : f32
    %broadcast_in_dim3A_10 = vector.broadcast %broadcast_in_dim3A_9 : f32 to vector<16xf32>
    %swap3A_11 = arith.constant 16 : index
    %swap3A_12 = tpu.vector_load %arg10[%swap3A_11] {strides = array<i32>} : memref<128xf32, #tpu.memory_space<vmem>>, vector<16xf32>,
    %swap3A_13 = vector.shape_cast %swap3A_12 : vector<16xf32> to vector<16xf32>
    %swap3A_14 = vector.shape_cast %broadcast_in_dim3A_10 : vector<16xf32> to vector<16xf32>
    tpu.vector_store %arg10[%swap3A_11], %swap3A_14 {strides = array<i32>} : memref<128xf32, #tpu.memory_space<vmem>>, vector<16xf32>,
    %broadcast_in_dim3A_15 = arith.constant 1.000000e+00 : f32
    %broadcast_in_dim3A_16 = vector.broadcast %broadcast_in_dim3A_15 : f32 to vector<16xf32>
    %swap3A_17 = arith.constant 32 : index
    %swap3A_18 = tpu.vector_load %arg10[%swap3A_17] {strides = array<i32>} : memref<128xf32, #tpu.memory_space<vmem>>, vector<16xf32>,
    %swap3A_19 = vector.shape_cast %swap3A_18 : vector<16xf32> to vector<16xf32>
    %swap3A_20 = vector.shape_cast %broadcast_in_dim3A_16 : vector<16xf32> to vector<16xf32>
    tpu.vector_store %arg10[%swap3A_17], %swap3A_20 {strides = array<i32>} : memref<128xf32, #tpu.memory_space<vmem>>, vector<16xf32>,
    %broadcast_in_dim3A_21 = arith.constant 1.000000e+00 : f32
    %broadcast_in_dim3A_22 = vector.broadcast %broadcast_in_dim3A_21 : f32 to vector<16xf32>
    %swap3A_23 = arith.constant 48 : index
    %swap3A_24 = tpu.vector_load %arg10[%swap3A_23] {strides = array<i32>} : memref<128xf32, #tpu.memory_space<vmem>>, vector<16xf32>,
    %swap3A_25 = vector.shape_cast %swap3A_24 : vector<16xf32> to vector<16xf32>
    %swap3A_26 = vector.shape_cast %broadcast_in_dim3A_22 : vector<16xf32> to vector<16xf32>
    tpu.vector_store %arg10[%swap3A_23], %swap3A_26 {strides = array<i32>} : memref<128xf32, #tpu.memory_space<vmem>>, vector<16xf32>,
    %broadcast_in_dim3A_27 = arith.constant 1.000000e+00 : f32
    %broadcast_in_dim3A_28 = vector.broadcast %broadcast_in_dim3A_27 : f32 to vector<16xf32>
    %swap3A_29 = arith.constant 64 : index
    %swap3A_30 = tpu.vector_load %arg10[%swap3A_29] {strides = array<i32>} : memref<128xf32, #tpu.memory_space<vmem>>, vector<16xf32>,
    %swap3A_31 = vector.shape_cast %swap3A_30 : vector<16xf32> to vector<16xf32>
    %swap3A_32 = vector.shape_cast %broadcast_in_dim3A_28 : vector<16xf32> to vector<16xf32>
    tpu.vector_store %arg10[%swap3A_29], %swap3A_32 {strides = array<i32>} : memref<128xf32, #tpu.memory_space<vmem>>, vector<16xf32>,
    %broadcast_in_dim3A_33 = arith.constant 1.000000e+00 : f32
    %broadcast_in_dim3A_34 = vector.broadcast %broadcast_in_dim3A_33 : f32 to vector<16xf32>
    %swap3A_35 = arith.constant 80 : index
    %swap3A_36 = tpu.vector_load %arg10[%swap3A_35] {strides = array<i32>} : memref<128xf32, #tpu.memory_space<vmem>>, vector<16xf32>,
    %swap3A_37 = vector.shape_cast %swap3A_36 : vector<16xf32> to vector<16xf32>
    %swap3A_38 = vector.shape_cast %broadcast_in_dim3A_34 : vector<16xf32> to vector<16xf32>
    tpu.vector_store %arg10[%swap3A_35], %swap3A_38 {strides = array<i32>} : memref<128xf32, #tpu.memory_space<vmem>>, vector<16xf32>,
    %broadcast_in_dim3A_39 = arith.constant 1.000000e+00 : f32
    %broadcast_in_dim3A_40 = vector.broadcast %broadcast_in_dim3A_39 : f32 to vector<16xf32>
    %swap3A_41 = arith.constant 96 : index
    %swap3A_42 = tpu.vector_load %arg10[%swap3A_41] {strides = array<i32>} : memref<128xf32, #tpu.memory_space<vmem>>, vector<16xf32>,
    %swap3A_43 = vector.shape_cast %swap3A_42 : vector<16xf32> to vector<16xf32>
    %swap3A_44 = vector.shape_cast %broadcast_in_dim3A_40 : vector<16xf32> to vector<16xf32>
    tpu.vector_store %arg10[%swap3A_41], %swap3A_44 {strides = array<i32>} : memref<128xf32, #tpu.memory_space<vmem>>, vector<16xf32>,
    %broadcast_in_dim3A_45 = arith.constant 1.000000e+00 : f32
    %broadcast_in_dim3A_46 = vector.broadcast %broadcast_in_dim3A_45 : f32 to vector<16xf32>
    %swap3A_47 = arith.constant 112 : index
    %swap3A_48 = tpu.vector_load %arg10[%swap3A_47] {strides = array<i32>} : memref<128xf32, #tpu.memory_space<vmem>>, vector<16xf32>,
    %swap3A_49 = vector.shape_cast %swap3A_48 : vector<16xf32> to vector<16xf32>
    %swap3A_50 = vector.shape_cast %broadcast_in_dim3A_46 : vector<16xf32> to vector<16xf32>
    tpu.vector_store %arg10[%swap3A_47], %swap3A_50 {strides = array<i32>} : memref<128xf32, #tpu.memory_space<vmem>>, vector<16xf32>,
    %dma_start3A = tpu.memref_slice %arg2[%mul3A_4] : memref<327680xi32, #tpu.memory_space<hbm>> -> memref<10240xi32, #tpu.memory_space<hbm>>
    %dma_start3A_51 = tpu.memref_slice %arg2[%mul3A_4] : memref<327680xi32, #tpu.memory_space<hbm>> -> memref<10240xi32, #tpu.memory_space<hbm>>
    tpu.enqueue_dma source(%dma_start3A_51 : memref<10240xi32, #tpu.memory_space<hbm>>) target(%arg8 : memref<10240xi32, #tpu.memory_space<vmem>>) target_semaphore(%arg11 : memref<!tpu.dma_semaphore, #tpu.memory_space<semaphore_mem>>)
    %dma_wait3A = tpu.memref_slice %arg2[%mul3A_4] : memref<327680xi32, #tpu.memory_space<hbm>> -> memref<10240xi32, #tpu.memory_space<hbm>>
    %dma_wait3A_52 = tpu.memref_slice %arg2[%mul3A_4] : memref<327680xi32, #tpu.memory_space<hbm>> -> memref<10240xi32, #tpu.memory_space<hbm>>
    tpu.wait_dma2 semaphore(%arg11 : memref<!tpu.dma_semaphore, #tpu.memory_space<semaphore_mem>>) src(%dma_wait3A_52 : memref<10240xi32, #tpu.memory_space<hbm>>) dst(%arg8 : memref<10240xi32, #tpu.memory_space<vmem>>)
    %dma_start3A_53 = tpu.memref_slice %arg3[%mul3A_4] : memref<327680xi32, #tpu.memory_space<hbm>> -> memref<10240xi32, #tpu.memory_space<hbm>>
    %dma_start3A_54 = tpu.memref_slice %arg3[%mul3A_4] : memref<327680xi32, #tpu.memory_space<hbm>> -> memref<10240xi32, #tpu.memory_space<hbm>>
    tpu.enqueue_dma source(%dma_start3A_54 : memref<10240xi32, #tpu.memory_space<hbm>>) target(%arg9 : memref<10240xi32, #tpu.memory_space<vmem>>) target_semaphore(%arg12 : memref<!tpu.dma_semaphore, #tpu.memory_space<semaphore_mem>>)
    %dma_wait3A_55 = tpu.memref_slice %arg3[%mul3A_4] : memref<327680xi32, #tpu.memory_space<hbm>> -> memref<10240xi32, #tpu.memory_space<hbm>>
    %dma_wait3A_56 = tpu.memref_slice %arg3[%mul3A_4] : memref<327680xi32, #tpu.memory_space<hbm>> -> memref<10240xi32, #tpu.memory_space<hbm>>
    tpu.wait_dma2 semaphore(%arg12 : memref<!tpu.dma_semaphore, #tpu.memory_space<semaphore_mem>>) src(%dma_wait3A_56 : memref<10240xi32, #tpu.memory_space<hbm>>) dst(%arg9 : memref<10240xi32, #tpu.memory_space<vmem>>)
    %eq3A = arith.constant 0 : i32
    %eq3A_57 = arith.cmpi eq, %arg1, %eq3A : i32
    %convert_element_type3A = arith.extui %eq3A_57 : i1 to i32
    %cond3A = arith.constant 0 : i32
    %cond3A_58 = arith.cmpi ne, %convert_element_type3A, %cond3A : i32
    scf.if %cond3A_58 {
      "tpu.region"() ({
        %run_scoped3A = tpu.sem_alloc : memref<!tpu.dma_semaphore, #tpu.memory_space<semaphore_mem>>
        tpu.enqueue_dma source(%arg4 : memref<10240xf32, #tpu.memory_space<hbm>>) target(%arg6 : memref<10240xf32, #tpu.memory_space<vmem_shared>>) target_semaphore(%run_scoped3A : memref<!tpu.dma_semaphore, #tpu.memory_space<semaphore_mem>>)
        tpu.wait_dma2 semaphore(%run_scoped3A : memref<!tpu.dma_semaphore, #tpu.memory_space<semaphore_mem>>) src(%arg4 : memref<10240xf32, #tpu.memory_space<hbm>>) dst(%arg6 : memref<10240xf32, #tpu.memory_space<vmem_shared>>)
        tpu.yield
      }) : () -> ()
      "tpu.region"() ({
        %run_scoped3A = tpu.sem_alloc : memref<!tpu.dma_semaphore, #tpu.memory_space<semaphore_mem>>
        tpu.enqueue_dma source(%arg4 : memref<10240xf32, #tpu.memory_space<hbm>>) target(%arg7 : memref<10240xf32, #tpu.memory_space<vmem_shared>>) target_semaphore(%run_scoped3A : memref<!tpu.dma_semaphore, #tpu.memory_space<semaphore_mem>>)
        tpu.wait_dma2 semaphore(%run_scoped3A : memref<!tpu.dma_semaphore, #tpu.memory_space<semaphore_mem>>) src(%arg4 : memref<10240xf32, #tpu.memory_space<hbm>>) dst(%arg7 : memref<10240xf32, #tpu.memory_space<vmem_shared>>)
        tpu.yield
      }) : () -> ()
    } else {
    }
    %barrier3A = arith.constant 0 : index
    tpu.barrier barrier_id(%barrier3A)
    %scan3A = arith.constant 0 : i32
    %scan3A_59 = arith.constant 0 : i32
    %scan3A_60 = arith.constant 80 : i32
    %scan3A_61 = arith.addi %scan3A_59, %scan3A_60 : i32
    %scan3A_62 = arith.constant 1 : i32
    scf.for %scan3A_70 = %scan3A_59 to %scan3A_61 step %scan3A_62  : i32 {
      %mul3A_71 = arith.constant 128 : i32
      %mul3A_72 = arith.muli %scan3A_70, %mul3A_71 : i32
      %mul3A_73 = arith.constant 128 : i32
      %mul3A_74 = arith.muli %scan3A_70, %mul3A_73 : i32
      %dma_start3A_75 = tpu.memref_slice %arg8[%mul3A_72] : memref<10240xi32, #tpu.memory_space<vmem>> -> memref<128xi32, #tpu.memory_space<vmem>>
      %dma_start3A_76 = arith.constant 0 : i32
      %dma_start3A_77 = tpu.memref_slice %arg6[%dma_start3A_76] : memref<10240xf32, #tpu.memory_space<vmem_shared>> -> memref<10240xf32, #tpu.memory_space<vmem_shared>>
      tpu.enqueue_indirect_dma source(%arg10 : memref<128xf32, #tpu.memory_space<vmem>>) target(%dma_start3A_77 : memref<10240xf32, #tpu.memory_space<vmem_shared>>) offsets(%dma_start3A_75 : memref<128xi32, #tpu.memory_space<vmem>>) semaphore(%arg11 : memref<!tpu.dma_semaphore, #tpu.memory_space<semaphore_mem>>) {add = true}
      %dma_start3A_78 = tpu.memref_slice %arg9[%mul3A_74] : memref<10240xi32, #tpu.memory_space<vmem>> -> memref<128xi32, #tpu.memory_space<vmem>>
      %dma_start3A_79 = arith.constant 0 : i32
      %dma_start3A_80 = tpu.memref_slice %arg7[%dma_start3A_79] : memref<10240xf32, #tpu.memory_space<vmem_shared>> -> memref<10240xf32, #tpu.memory_space<vmem_shared>>
      tpu.enqueue_indirect_dma source(%arg10 : memref<128xf32, #tpu.memory_space<vmem>>) target(%dma_start3A_80 : memref<10240xf32, #tpu.memory_space<vmem_shared>>) offsets(%dma_start3A_78 : memref<128xi32, #tpu.memory_space<vmem>>) semaphore(%arg12 : memref<!tpu.dma_semaphore, #tpu.memory_space<semaphore_mem>>) {add = true}
      %dma_wait3A_81 = tpu.memref_slice %arg8[%mul3A_72] : memref<10240xi32, #tpu.memory_space<vmem>> -> memref<128xi32, #tpu.memory_space<vmem>>
      %dma_wait3A_82 = arith.constant 0 : i32
      %dma_wait3A_83 = tpu.memref_slice %arg6[%dma_wait3A_82] : memref<10240xf32, #tpu.memory_space<vmem_shared>> -> memref<10240xf32, #tpu.memory_space<vmem_shared>>
      tpu.wait_indirect_dma semaphore(%arg11 : memref<!tpu.dma_semaphore, #tpu.memory_space<semaphore_mem>>) src(%arg10 : memref<128xf32, #tpu.memory_space<vmem>>) dst(%dma_wait3A_83 : memref<10240xf32, #tpu.memory_space<vmem_shared>>)
      %dma_wait3A_84 = tpu.memref_slice %arg9[%mul3A_74] : memref<10240xi32, #tpu.memory_space<vmem>> -> memref<128xi32, #tpu.memory_space<vmem>>
      %dma_wait3A_85 = arith.constant 0 : i32
      %dma_wait3A_86 = tpu.memref_slice %arg7[%dma_wait3A_85] : memref<10240xf32, #tpu.memory_space<vmem_shared>> -> memref<10240xf32, #tpu.memory_space<vmem_shared>>
      tpu.wait_indirect_dma semaphore(%arg12 : memref<!tpu.dma_semaphore, #tpu.memory_space<semaphore_mem>>) src(%arg10 : memref<128xf32, #tpu.memory_space<vmem>>) dst(%dma_wait3A_86 : memref<10240xf32, #tpu.memory_space<vmem_shared>>)
    }
    %scan3A_63 = arith.constant 80 : i32
    %barrier3A_64 = arith.constant 0 : index
    tpu.barrier barrier_id(%barrier3A_64)
    %eq3A_65 = arith.constant 0 : i32
    %eq3A_66 = arith.cmpi eq, %arg1, %eq3A_65 : i32
    %convert_element_type3A_67 = arith.extui %eq3A_66 : i1 to i32
    %cond3A_68 = arith.constant 0 : i32
    %cond3A_69 = arith.cmpi ne, %convert_element_type3A_67, %cond3A_68 : i32
    scf.if %cond3A_69 {
      %mul3A_70 = arith.constant 2 : i32
      %mul3A_71 = arith.muli %arg0, %mul3A_70 : i32
      %add3A_72 = arith.constant 0 : i32
      %add3A_73 = arith.addi %mul3A_71, %add3A_72 : i32
      %mul3A_74 = arith.constant 10240 : i32
      %mul3A_75 = arith.muli %add3A_73, %mul3A_74 : i32
      "tpu.region"() ({
        %run_scoped3A = tpu.sem_alloc : memref<!tpu.dma_semaphore, #tpu.memory_space<semaphore_mem>>
        %dma_start3A_82 = tpu.memref_slice %arg5[%mul3A_75] : memref<40960xf32, #tpu.memory_space<hbm>> -> memref<10240xf32, #tpu.memory_space<hbm>>
        tpu.enqueue_dma source(%arg6 : memref<10240xf32, #tpu.memory_space<vmem_shared>>) target(%dma_start3A_82 : memref<10240xf32, #tpu.memory_space<hbm>>) target_semaphore(%run_scoped3A : memref<!tpu.dma_semaphore, #tpu.memory_space<semaphore_mem>>)
        %dma_wait3A_83 = tpu.memref_slice %arg5[%mul3A_75] : memref<40960xf32, #tpu.memory_space<hbm>> -> memref<10240xf32, #tpu.memory_space<hbm>>
        tpu.wait_dma2 semaphore(%run_scoped3A : memref<!tpu.dma_semaphore, #tpu.memory_space<semaphore_mem>>) src(%arg6 : memref<10240xf32, #tpu.memory_space<vmem_shared>>) dst(%dma_wait3A_83 : memref<10240xf32, #tpu.memory_space<hbm>>)
        tpu.yield
      }) : () -> ()
      %mul3A_76 = arith.constant 2 : i32
      %mul3A_77 = arith.muli %arg0, %mul3A_76 : i32
      %add3A_78 = arith.constant 1 : i32
      %add3A_79 = arith.addi %mul3A_77, %add3A_78 : i32
      %mul3A_80 = arith.constant 10240 : i32
      %mul3A_81 = arith.muli %add3A_79, %mul3A_80 : i32
      "tpu.region"() ({
        %run_scoped3A = tpu.sem_alloc : memref<!tpu.dma_semaphore, #tpu.memory_space<semaphore_mem>>
        %dma_start3A_82 = tpu.memref_slice %arg5[%mul3A_81] : memref<40960xf32, #tpu.memory_space<hbm>> -> memref<10240xf32, #tpu.memory_space<hbm>>
        tpu.enqueue_dma source(%arg7 : memref<10240xf32, #tpu.memory_space<vmem_shared>>) target(%dma_start3A_82 : memref<10240xf32, #tpu.memory_space<hbm>>) target_semaphore(%run_scoped3A : memref<!tpu.dma_semaphore, #tpu.memory_space<semaphore_mem>>)
        %dma_wait3A_83 = tpu.memref_slice %arg5[%mul3A_81] : memref<40960xf32, #tpu.memory_space<hbm>> -> memref<10240xf32, #tpu.memory_space<hbm>>
        tpu.wait_dma2 semaphore(%run_scoped3A : memref<!tpu.dma_semaphore, #tpu.memory_space<semaphore_mem>>) src(%arg7 : memref<10240xf32, #tpu.memory_space<vmem_shared>>) dst(%dma_wait3A_83 : memref<10240xf32, #tpu.memory_space<hbm>>)
        tpu.yield
      }) : () -> ()
    } else {
    }
    return
  }
}

module attributes {stable_mosaic.version = 14 : i64} {
  func.func @_scale_body(%arg0: i32, %arg1: memref<1000x128xf32, #tpu.memory_space<vmem>>, %arg2: memref<2x2x1000x1xf32, #tpu.memory_space<vmem>>, %arg3: memref<1000x128xf32, #tpu.memory_space<vmem>>) attributes {dimension_semantics = [#tpu.dimension_semantics<arbitrary>], iteration_bounds = array<i64: 10>, scalar_prefetch = 0 : i64, scratch_operands = 0 : i64, tpu.core_type = #tpu.core_type<tc>, window_params = [{transform_indices = @transform_0, window_bounds = array<i64: 1000, 128>}, {transform_indices = @transform_1, window_bounds = array<i64: 2, 2, 1000, 1>}, {transform_indices = @transform_2, window_bounds = array<i64: 1000, 128>}]} {
    %get3A = arith.constant 0 : index
    %get3A_0 = arith.constant 0 : index
    %get3A_1 = arith.constant 0 : index
    %get3A_2 = arith.constant 0 : index
    %get3A_3 = vector.load %arg2[%get3A, %get3A_0, %get3A_1, %get3A_2] : memref<2x2x1000x1xf32, #tpu.memory_space<vmem>>, vector<1x1x1000x1xf32>
    %get3A_4 = vector.shape_cast %get3A_3 : vector<1x1x1000x1xf32> to vector<1000x1xf32>
    %get3A_5 = arith.constant 1 : index
    %get3A_6 = arith.constant 0 : index
    %get3A_7 = arith.constant 0 : index
    %get3A_8 = arith.constant 0 : index
    %get3A_9 = vector.load %arg2[%get3A_5, %get3A_6, %get3A_7, %get3A_8] : memref<2x2x1000x1xf32, #tpu.memory_space<vmem>>, vector<1x1x1000x1xf32>
    %get3A_10 = vector.shape_cast %get3A_9 : vector<1x1x1000x1xf32> to vector<1000x1xf32>
    %add3A = arith.addf %get3A_4, %get3A_10 : vector<1000x1xf32>
    %max3A = arith.constant 1.000000e+00 : f32
    %max3A_11 = vector.broadcast %max3A : f32 to vector<1000x1xf32>
    %max3A_12 = arith.maximumf %add3A, %max3A_11 : vector<1000x1xf32>
    %rsqrt3A = math.rsqrt %max3A_12 : vector<1000x1xf32>
    %get3A_13 = arith.constant 0 : index
    %get3A_14 = arith.constant 0 : index
    %get3A_15 = vector.load %arg1[%get3A_13, %get3A_14] : memref<1000x128xf32, #tpu.memory_space<vmem>>, vector<1000x128xf32>
    %mul3A = vector.broadcast %rsqrt3A : vector<1000x1xf32> to vector<1000x128xf32>
    %mul3A_16 = arith.mulf %get3A_15, %mul3A : vector<1000x128xf32>
    %swap3A = arith.constant 0 : index
    %swap3A_17 = arith.constant 0 : index
    %swap3A_18 = vector.load %arg3[%swap3A, %swap3A_17] : memref<1000x128xf32, #tpu.memory_space<vmem>>, vector<1000x128xf32>
    tpu.vector_store %arg3[%swap3A, %swap3A_17], %mul3A_16 {strides = array<i32>} : memref<1000x128xf32, #tpu.memory_space<vmem>>, vector<1000x128xf32>,
    return
  }
  func.func @transform_0(%arg0: i32) -> (i32, i32) {
    %c0_i32 = arith.constant 0 : i32
    %c0_i32_0 = arith.constant 0 : i32
    return %arg0, %c0_i32 : i32, i32
  }
  func.func @transform_1(%arg0: i32) -> (i32, i32, i32, i32) {
    %c0_i32 = arith.constant 0 : i32
    %c0_i32_0 = arith.constant 0 : i32
    %c0_i32_1 = arith.constant 0 : i32
    %c0_i32_2 = arith.constant 0 : i32
    return %c0_i32, %c0_i32_0, %arg0, %c0_i32_1 : i32, i32, i32, i32
  }
  func.func @transform_2(%arg0: i32) -> (i32, i32) {
    %c0_i32 = arith.constant 0 : i32
    %c0_i32_0 = arith.constant 0 : i32
    return %arg0, %c0_i32 : i32, i32
  }
}

module attributes {stable_mosaic.version = 14 : i64} {
  func.func @_proj_body(%arg0: i32, %arg1: memref<2x1000x128xf32, #tpu.memory_space<vmem>>, %arg2: memref<128x128xf32, #tpu.memory_space<vmem>>, %arg3: memref<1x128xf32, #tpu.memory_space<vmem>>, %arg4: memref<2x2x1000x1xf32, #tpu.memory_space<vmem>>, %arg5: memref<1000x128xf32, #tpu.memory_space<vmem>>) attributes {dimension_semantics = [#tpu.dimension_semantics<arbitrary>], iteration_bounds = array<i64: 10>, scalar_prefetch = 0 : i64, scratch_operands = 0 : i64, tpu.core_type = #tpu.core_type<tc>, window_params = [{transform_indices = @transform_0, window_bounds = array<i64: 2, 1000, 128>}, {pipeline_mode = #tpu.pipeline_mode<synchronous>, transform_indices = @transform_1, window_bounds = array<i64: 128, 128>}, {pipeline_mode = #tpu.pipeline_mode<synchronous>, transform_indices = @transform_2, window_bounds = array<i64: 1, 128>}, {transform_indices = @transform_3, window_bounds = array<i64: 2, 2, 1000, 1>}, {transform_indices = @transform_4, window_bounds = array<i64: 1000, 128>}]} {
    %get3A = arith.constant 0 : index
    %get3A_0 = arith.constant 0 : index
    %get3A_1 = arith.constant 0 : index
    %get3A_2 = vector.load %arg1[%get3A, %get3A_0, %get3A_1] : memref<2x1000x128xf32, #tpu.memory_space<vmem>>, vector<1x1000x128xf32>
    %get3A_3 = vector.shape_cast %get3A_2 : vector<1x1000x128xf32> to vector<1000x128xf32>
    %get3A_4 = arith.constant 1 : index
    %get3A_5 = arith.constant 0 : index
    %get3A_6 = arith.constant 0 : index
    %get3A_7 = vector.load %arg1[%get3A_4, %get3A_5, %get3A_6] : memref<2x1000x128xf32, #tpu.memory_space<vmem>>, vector<1x1000x128xf32>
    %get3A_8 = vector.shape_cast %get3A_7 : vector<1x1000x128xf32> to vector<1000x128xf32>
    %add3A = arith.addf %get3A_3, %get3A_8 : vector<1000x128xf32>
    %get3A_9 = arith.constant 0 : index
    %get3A_10 = arith.constant 0 : index
    %get3A_11 = vector.load %arg2[%get3A_9, %get3A_10] : memref<128x128xf32, #tpu.memory_space<vmem>>, vector<128x128xf32>
    %dot_general3A = arith.constant dense<0.000000e+00> : vector<1000x128xf32>
    %dot_general3A_12 = tpu.matmul %add3A, %get3A_11, %dot_general3A {dimension_numbers = #tpu.dot_dimension_numbers<[1], [1], [0], [0], [0, 0, 1, 0], [], []>, transpose_lhs_hint = false} : vector<1000x128xf32>, vector<128x128xf32>, vector<1000x128xf32> -> vector<1000x128xf32>
    %get3A_13 = arith.constant 0 : index
    %get3A_14 = arith.constant 1 : index
    %get3A_15 = arith.constant 0 : index
    %get3A_16 = arith.constant 0 : index
    %get3A_17 = vector.load %arg4[%get3A_13, %get3A_14, %get3A_15, %get3A_16] : memref<2x2x1000x1xf32, #tpu.memory_space<vmem>>, vector<1x1x1000x1xf32>
    %get3A_18 = vector.shape_cast %get3A_17 : vector<1x1x1000x1xf32> to vector<1000x1xf32>
    %get3A_19 = arith.constant 1 : index
    %get3A_20 = arith.constant 1 : index
    %get3A_21 = arith.constant 0 : index
    %get3A_22 = arith.constant 0 : index
    %get3A_23 = vector.load %arg4[%get3A_19, %get3A_20, %get3A_21, %get3A_22] : memref<2x2x1000x1xf32, #tpu.memory_space<vmem>>, vector<1x1x1000x1xf32>
    %get3A_24 = vector.shape_cast %get3A_23 : vector<1x1x1000x1xf32> to vector<1000x1xf32>
    %add3A_25 = arith.addf %get3A_18, %get3A_24 : vector<1000x1xf32>
    %max3A = arith.constant 1.000000e+00 : f32
    %max3A_26 = vector.broadcast %max3A : f32 to vector<1000x1xf32>
    %max3A_27 = arith.maximumf %add3A_25, %max3A_26 : vector<1000x1xf32>
    %rsqrt3A = math.rsqrt %max3A_27 : vector<1000x1xf32>
    %get3A_28 = arith.constant 0 : index
    %get3A_29 = arith.constant 0 : index
    %get3A_30 = vector.load %arg3[%get3A_28, %get3A_29] : memref<1x128xf32, #tpu.memory_space<vmem>>, vector<1x128xf32>
    %add3A_31 = vector.broadcast %get3A_30 : vector<1x128xf32> to vector<1000x128xf32>
    %add3A_32 = arith.addf %dot_general3A_12, %add3A_31 : vector<1000x128xf32>
    %mul3A = vector.broadcast %rsqrt3A : vector<1000x1xf32> to vector<1000x128xf32>
    %mul3A_33 = arith.mulf %add3A_32, %mul3A : vector<1000x128xf32>
    %swap3A = arith.constant 0 : index
    %swap3A_34 = arith.constant 0 : index
    %swap3A_35 = vector.load %arg5[%swap3A, %swap3A_34] : memref<1000x128xf32, #tpu.memory_space<vmem>>, vector<1000x128xf32>
    tpu.vector_store %arg5[%swap3A, %swap3A_34], %mul3A_33 {strides = array<i32>} : memref<1000x128xf32, #tpu.memory_space<vmem>>, vector<1000x128xf32>,
    return
  }
  func.func @transform_0(%arg0: i32) -> (i32, i32, i32) {
    %c0_i32 = arith.constant 0 : i32
    %c0_i32_0 = arith.constant 0 : i32
    %c0_i32_1 = arith.constant 0 : i32
    return %c0_i32, %arg0, %c0_i32_0 : i32, i32, i32
  }
  func.func @transform_1(%arg0: i32) -> (i32, i32) {
    %c0_i32 = arith.constant 0 : i32
    %c0_i32_0 = arith.constant 0 : i32
    %c0_i32_1 = arith.constant 0 : i32
    return %c0_i32, %c0_i32_0 : i32, i32
  }
  func.func @transform_2(%arg0: i32) -> (i32, i32) {
    %c0_i32 = arith.constant 0 : i32
    %c0_i32_0 = arith.constant 0 : i32
    %c0_i32_1 = arith.constant 0 : i32
    return %c0_i32, %c0_i32_0 : i32, i32
  }
  func.func @transform_3(%arg0: i32) -> (i32, i32, i32, i32) {
    %c0_i32 = arith.constant 0 : i32
    %c0_i32_0 = arith.constant 0 : i32
    %c0_i32_1 = arith.constant 0 : i32
    %c0_i32_2 = arith.constant 0 : i32
    return %c0_i32, %c0_i32_0, %arg0, %c0_i32_1 : i32, i32, i32, i32
  }
  func.func @transform_4(%arg0: i32) -> (i32, i32) {
    %c0_i32 = arith.constant 0 : i32
    %c0_i32_0 = arith.constant 0 : i32
    return %arg0, %c0_i32 : i32, i32
  }
}

</mosaic_0001>

<sc_bundles>
// kernel: kernel.6.cloned.1.call-start
scs
__scs_entry_jumppad:
0x0: {  	(pc) =	sbr.rel $0x88, $3  }
0x1: {  	(tag) =	ssettag $0x0;
	lr =	simm.s32 $0x1  }
0x2: {  	[smem:$0x3F9D] =	sst lr;
	_ =	strace $0xD0000000  }
0x3: {  	_ = 	snop  }
0x4: {  	_ = 	snop  }
0x5: {  	_ = 	snop  }
0x6: {  	_ = 	snop  }
0x7: {  	_ = 	snop  }
__scs_overlays_trampoline_lowered:
0x8: {  	[smem:$0x3FAC] =	sst s0  }
0x9: {  	[smem:$0x3FAD] =	sst s1  }
0xa: {  	[smem:$0x3FAE] =	sst s2  }
0xb: {  	[smem:$0x3FAF] =	sst s3  }
0xc: {  	[smem:$0x3FB0] =	sst s4  }
0xd: {  	[smem:$0x3FB1] =	sst s5  }
0xe: {  	[smem:$0x3FB2] =	sst s6  }
0xf: {  	[smem:$0x3FB3] =	sst s7  }
0x10: {  	[smem:$0x3FB4] =	sst s8  }
0x11: {  	[smem:$0x3FB5] =	sst s9;
	s0 =	simm.s32 @!p0 $0x0  }
0x12: {  	s1 =	sld [smem:$0x3F9B];
	s0 =	simm.s32 @p0 $0x1  }
0x13: {  	[smem:$0x3FB6] =	sst s0;
	s0 =	simm.s32 @!p1 $0x0  }
0x14: {  	s2 =	sld [smem:$0x3F9A];
	s0 =	simm.s32 @p1 $0x1  }
0x15: {  	[smem:$0x3FB7] =	sst s0;
	s0 =	simm.s32 @!p2 $0x0  }
0x16: {  	s3 =	sld [smem:$0x3FDB];
	s0 =	simm.s32 @p2 $0x1  }
0x17: {  	s4 =	simm.s32 $0x1BF5;
	[smem:$0x3FB9] =	sst s0  }
0x18: {  	s0 =	sld [smem:$0x3F9C];
	_ =	swait.ge [sflag:s4], $0x0  }
0x19: {  	s7 =	sld [smem:$0x3F9D]  }
0x1a: {  	s8 =	sadd.s32 $0xFFFFE003, lr  }
0x1b: {  	s9 =	sadd.s32 $0xFFFFFEF7, lr;
	s5 =	simm.s32 $0xFFFFFFFF;
	p2 =	slt.u32 s8, $0xFFFFF086  }
0x1c: {  	p1 =	slt.u32 s9, $0xF7A;
	s5 =	simm.s32 @!p2 $0x0  }
0x1d: {  	s5 =	simm.s32 @p1 $0x1;
	p0 =	seq.s32 s7, s2  }
0x1e: {  	s7 =	smul.u32 @!p0 $0xF7A, s2;
	p2 =	seq.s32 @!p0 s5, $0x0  }
0x1f: {  	s9 =	smul.u32 $0xF7A, s1;
	s8 =	simm.s32 @!p0 $0x1BF5;
	p2 =	por !p2, p0  }
0x20: {  	[sflag:s8] =	ssyncset.s32 @!p0 $0xFFFFF086;
	s6 =	sadd.s32 @!p0 s3, s7;
	s7 =	simm.s32 @!p0 $0x108  }
0x21: {  	s3 =	sadd.s32 s3, s9;
	s6 =	sadd.s32 @!p0 $0x88, s6;
	s7 =	simm.s32 @p2 $0x1082  }
0x22: {  	[simem:s7], [sflag:s8] =	dma.local @!p0 [hbm:s6], $0xF7A  }
0x23: {  	s9 =	sor.u32 $0xD0000000, s2;
	s6 =	simm.s32 $0x108;
	_ =	swait.ge @!p0 [sflag:s8], $0x0  }
0x24: {  	s3 =	sadd.s32 $0x88, s3;
	s6 =	simm.s32 @!p1 $0x1082;
	[sflag:s4] =	ssyncset.s32 $0xFFFFF086  }
0x25: {  	[simem:s6], [sflag:s4] =	dma.local [hbm:s3], $0xF7A  }
0x26: {  	[smem:$0x3F9D] =	sst s1;
	(tag) =	ssettag s2;
	_ =	strace s9  }
0x27: {  	s1 =	sld [smem:$0x3FAD]  }
0x28: {  	s2 =	sld [smem:$0x3FAE]  }
0x29: {  	s4 =	sld [smem:$0x3FB0]  }
0x2a: {  	p0 =	seq.s32 s5, $0x0;
	s5 =	sld [smem:$0x3FB1]  }
0x2b: {  	s6 =	sld [smem:$0x3FB2]  }
0x2c: {  	s7 =	sld [smem:$0x3FB3]  }
0x2d: {  	s3 =	simm.s32 $0x108;
	s8 =	sld [smem:$0x3FB4]  }
0x2e: {  	s3 =	simm.s32 @!p0 $0x1082;
	s9 =	sld [smem:$0x3FB5]  }
0x2f: {  	lr =	sadd.s32 s0, s3;
	s0 =	sld [smem:$0x3FAC]  }
0x30: {  	s3 =	sld [smem:$0x3FAF]  }
0x31: {  	[smem:$0x3FB8] =	sst s10  }
0x32: {  	s10 =	sld [smem:$0x3FB6];
	_ =	sdelay $0x3  }
0x33: {  	p0 =	seq.s32 s10, $0x1;
	s10 =	sld [smem:$0x3FB8];
	_ =	sdelay $0x3  }
0x34: {  	[smem:$0x3FB8] =	sst s10  }
0x35: {  	s10 =	sld [smem:$0x3FB7];
	_ =	sdelay $0x3  }
0x36: {  	p1 =	seq.s32 s10, $0x1;
	s10 =	sld [smem:$0x3FB8];
	_ =	sdelay $0x3  }
0x37: {  	[smem:$0x3FB8] =	sst s10  }
0x38: {  	s10 =	sld [smem:$0x3FB9]  }
0x39: {  	_ = 	snop;
	(pc) =	sbr.ind lr, $3  }
0x3a: {  	_ = 	snop  }
0x3b: {  	_ = 	snop  }
0x3c: {  	p2 =	seq.s32 s10, $0x1;
	s10 =	sld [smem:$0x3FB8]  }
0x3d: {  	_ =	shalt  }
0x3e: {  	_ =	shalt  }
0x3f: {  	_ =	shalt  }
0x40: {  	_ =	shalt  }
0x41: {  	_ =	shalt  }
0x42: {  	_ =	shalt  }
0x43: {  	_ =	shalt  }
0x44: {  	_ =	shalt  }
0x45: {  	_ =	shalt  }
0x46: {  	_ =	shalt  }
0x47: {  	_ =	shalt  }
0x48: {  	_ =	shalt  }
0x49: {  	_ =	shalt  }
0x4a: {  	_ =	shalt  }
0x4b: {  	_ =	shalt  }
0x4c: {  	_ =	shalt  }
0x4d: {  	_ =	shalt  }
0x4e: {  	_ =	shalt  }
0x4f: {  	_ =	shalt  }
0x50: {  	_ =	shalt  }
0x51: {  	_ =	shalt  }
0x52: {  	_ =	shalt  }
0x53: {  	_ =	shalt  }
0x54: {  	_ =	shalt  }
0x55: {  	_ =	shalt  }
0x56: {  	_ =	shalt  }
0x57: {  	_ =	shalt  }
0x58: {  	_ =	shalt  }
0x59: {  	_ =	shalt  }
0x5a: {  	_ =	shalt  }
0x5b: {  	_ =	shalt  }
0x5c: {  	_ =	shalt  }
0x5d: {  	_ =	shalt  }
0x5e: {  	_ =	shalt  }
0x5f: {  	_ =	shalt  }
0x60: {  	_ =	shalt  }
0x61: {  	_ =	shalt  }
0x62: {  	_ =	shalt  }
0x63: {  	_ =	shalt  }
0x64: {  	_ =	shalt  }
0x65: {  	_ =	shalt  }
0x66: {  	_ =	shalt  }
0x67: {  	_ =	shalt  }
0x68: {  	_ =	shalt  }
0x69: {  	_ =	shalt  }
0x6a: {  	_ =	shalt  }
0x6b: {  	_ =	shalt  }
0x6c: {  	_ =	shalt  }
0x6d: {  	_ =	shalt  }
0x6e: {  	_ =	shalt  }
0x6f: {  	_ =	shalt  }
0x70: {  	_ =	shalt  }
0x71: {  	_ =	shalt  }
0x72: {  	_ =	shalt  }
0x73: {  	_ =	shalt  }
0x74: {  	_ =	shalt  }
0x75: {  	_ =	shalt  }
0x76: {  	_ =	shalt  }
0x77: {  	_ =	shalt  }
0x78: {  	_ =	shalt  }
0x79: {  	_ =	shalt  }
0x7a: {  	_ =	shalt  }
0x7b: {  	_ =	shalt  }
0x7c: {  	_ =	shalt  }
0x7d: {  	_ =	shalt  }
0x7e: {  	_ =	shalt  }
0x7f: {  	_ =	shalt  }
0x80: {  	_ =	shalt  }
0x81: {  	_ =	shalt  }
0x82: {  	_ =	shalt  }
0x83: {  	_ =	shalt  }
0x84: {  	_ =	shalt  }
0x85: {  	_ =	shalt  }
0x86: {  	_ =	shalt  }
0x87: {  	_ =	shalt  }
.Lfunc_end0:
.L_simem_size_0:
called_computation_lowered:
.L_overlay_start_0:
0x88: {  	s2 =	sld [smem:$0x3FD9]  }
0x89: {  	s3 =	sld [smem:$0x3FFE];
	_ =	sdelay $0x1  }
0x8a: {  	s1 =	srdreg.scid  }
0x8b: {  	s0 =	sand.u32 $0x1, s1  }
0x8c: {  	s17 =	sshll.u32 s0, $0xA;
	s2 =	sadd.s32 s3, s2  }
0x8d: {  	s2 =	sadd.s32 s2, s17  }
0x8e: {  	[smem:$0x3FC4] =	sst s2  }
0x8f: {  	_ = 	snop  }
0x90: {  	s2 =	sld [smem:$0x3FD0];
	(tm) =	ssettm $0x1  }
0x91: {  	s18 =	sld [smem:$0x3FFB];
	_ =	sdelay $0x3  }
0x92: {  	_ =	strace s18  }
0x93: {  	s3 =	sld [smem:$0x3FFC];
	_ =	sdelay $0x3  }
0x94: {  	_ =	strace s3  }
0x95: {  	s3 =	sld [smem:$0x3FFD];
	_ =	sdelay $0x3  }
0x96: {  	_ =	strace s3  }
0x97: {  	_ =	strace $0x8FFFFFFF  }
0x98: {  	s19 =	sld [smem:$0x3FDB];
	_ =	sdelay $0x1  }
0x99: {  	s4 =	simm.s32 $_scs_section_size  }
0x9a: {  	s5 =	simm.s32 $_size__tile_overlayer_lowered;
	s6 =	simm.s32 $_tile_overlayer_lowered  }
0x9b: {  	s22 =	simm.s32 $0x1BFF;
	s21 =	sshll.u32 s6, $0x1;
	s3 =	sadd.s32 s4, s19  }
0x9c: {  	s7 =	simm.s32 $0x0;
	s20 =	sshll.u32 s5, $0x1;
	s5 =	sadd.s32 s21, s3  }
0x9d: {  	[timem:s7], [sflag:s22] =	dma.local [hbm:s5], s20  }
0x9e: {  	_ =	swait.ge [sflag:s22], s20  }
0x9f: {  	s4 =	ssub.s32 $0x0, s20;
	[sflag:s22] =	ssyncset.done $0x0  }
0xa0: {  	[sflag:s22] =	ssyncadd.s32 s4;
	_ =	sdelay $0x1  }
0xa1: {  	s23 =	simm.s32 $0x1B8B  }
0xa2: {  	_ =	swait.ge [sflag:s23], $0x1  }
0xa3: {  	[sflag:s23] =	ssyncset.done $0x0  }
0xa4: {  	s25 =	simm.s32 $0x1B8E;
	s24 =	sld [smem:$0x3FFE];
	[sflag:s23] =	ssyncadd.s32 $0xFFFFFFFF  }
0xa5: {  	s26 =	simm.s32 $execute0_lowered;
	[smem:$0x3FD2] =	sst s25  }
0xa6: {  	s5 =	sshll.u32 s26, $0x1;
	_ =	strace $0x80000046;
	[dreg:$0x1] =	wrdreg $0xFFFFFFFF  }
0xa7: {  	s28 =	simm.s32 $_size_execute0_lowered;
	s3 =	sadd.s32 s3, s5;
	[dreg:$0x0] =	wrdreg $0x0  }
0xa8: {  	s5 =	sshll.u32 s28, $0x1;
	[dreg:$0x2] =	wrdreg s3  }
0xa9: {  	[dreg:$0x3] =	wrdreg s5  }
0xaa: {  	[dreg:$0x4] =	wrdreg $0xC0  }
0xab: {  	_ =	task [dreg:s7], $0x5FFFF  }
0xac: {  	[dreg:$0x1] =	wrdreg $0xFFFFFFFF  }
0xad: {  	[dreg:$0x0] =	wrdreg $0x60  }
0xae: {  	[dreg:$0x2] =	wrdreg s2  }
0xaf: {  	[dreg:$0x3] =	wrdreg s24  }
0xb0: {  	[dreg:$0x4] =	wrdreg $0x0  }
0xb1: {  	[dreg:$0x5] =	wrdreg $0x2800  }
0xb2: {  	[dreg:$0x6] =	wrdreg $0x9  }
0xb3: {  	_ =	task.clear_ibuf [dreg:s7], $0x7FFFF;
	_ =	strace $0x90000046  }
0xb4: {  	s29 =	simm.s32 $0x9;
	_ =	strace $0x80000048  }
0xb5: {  	_ =	swait.ge [sflag:s29], $0x1  }
0xb6: {  	[sflag:s29] =	ssyncadd.s32 $0xFFFFFFFF  }
0xb7: {  	_ =	strace $0x90000048  }
0xb8: {  	_ =	sfence  }
0xb9: {  	s30 =	sld [smem:$0x0];
	_ =	sdelay $0x2  }
0xba: {  	s31 =	sshll.u32 s1, $0xD;
	s1 =	sshrl.u32 s1, $0x2  }
0xbb: {  	s3 =	sand.u32 $0x4000, s31;
	s1 =	sadd.s32 s1, s30  }
0xbc: {  	s0 =	sor.u32 s3, s0;
	s1 =	sshll.u32 s1, $0x11  }
0xbd: {  	s0 =	sor.u32 s1, s0  }
0xbe: {  	s0 =	sadd.s32 $0x8F2B, s0  }
0xbf: {  	[sflag:s0] =	ssyncadd.remote.s32 $0x1  }
0xc0: {  	_ =	sfence.sel $0xFFFF  }
0xc1: {  	[dreg:$0x0] =	wrdreg $0xFFFFFFFF;
	(pc) =	sbr.abs _section_cstart, $3  }
0xc2: {  	[dreg:$0x1] =	wrdreg $0xFFFFFFFF  }
0xc3: {  	_ =	task.clear_ibuf [dreg:s7], $0x2FFFF;
	_ =	strace $0x9FFFFFFF  }
0xc4: {  	(tm) =	ssettm $0x7FFFFFFF  }
0xc5: {  	_ =	shalt  }
tec
execute0_lowered:
.L_overlay_start_1:
0x0: {  	(tag) =	ssettag $0x1  }
0x1: {  	s5 =	rddreg [dreg:$0x0]  }
0x2: {  	s6 =	rddreg [dreg:$0x1]  }
0x3: {  	s0 =	srdreg.scid;
	s1 =	rddreg [dreg:$0x2]  }
0x4: {  	s10 =	stileid.u32;
	s2 =	rddreg [dreg:$0x3]  }
0x5: {  	s3 =	simm.s32 $0x0;
	s16 =	simm.s32 $0x80;
	s17 =	simm.s32 $0x5500  }
0x6: {  	s18 =	simm.s32 $0x0;
	s7 =	sand.u32 $0x1, s0;
	s0 =	rddreg [dreg:$0x4]  }
0x7: {  	s29 =	sshll.u32 s10, $0x1;
	[smem:$0x7FF] =	sst s3;
	s13 =	sadd.s32 $0x15800, s6  }
0x8: {  	p0 =	sne.s32 s10, $0x0;
	s10 =	simm.s32 $0x500;
	s4 =	sor.u32 s7, s29  }
0x9: {  	_ =	strace $0x80000047;
	s11 =	ssub.s32 $0x2, s7;
	s12 =	smul.u32 $0x5000, s7  }
0xa: {  	s7 =	smul.u32 $0xA00, s7;
	s14 =	sshrl.u32 @!p0 s1, $0x3;
	s15 =	sshrl.u32 @!p0 s2, $0x3  }
0xb: {  	s8 =	smul.u32 $0x500, s4;
	s4 =	sadd.s32 $0x15200, s6;
	s30 =	sshrl.u32 s11, $0x1  }
0xc: {  	s11 =	ssub.s32 s11, s30;
	s31 =	sshrl.u32 s12, $0x3;
	s7 =	sadd.s32 s13, s7  }
0xd: {  	s12 =	simm.s32 $0x2D00;
	s9 =	sadd.s32 s8, s6;
	s5 =	sadd.s32 s5, s8  }
0xe: {  	s8 =	sadd.s32 s13, s31;
	s13 =	simm.s32 $0x2;
	s6 =	sadd.s32 $0xB200, s9  }
0xf: {  	v0 =	vimm.f32 $1.000000000e+00;
	s8 =	sadd.s32 $0x500, s8;
	s9 =	smax.u32 s11, $0x1;
	s11 =	simm.s32 $0x1  }
.LBB2_1:
0x10: {  	[tilespmem:$0x5500] =	vst v0  }
0x11: {  	[tilespmem:$0x5510] =	vst v0  }
0x12: {  	[tilespmem:$0x5520] =	vst v0  }
0x13: {  	[tilespmem:$0x5530] =	vst v0  }
0x14: {  	[tilespmem:$0x5540] =	vst v0  }
0x15: {  	[tilespmem:$0x5550] =	vst v0  }
0x16: {  	[tilespmem:$0x5560] =	vst v0  }
0x17: {  	[tilespmem:$0x5570] =	vst v0  }
0x18: {  	[tilespmem:s10], [sflag:$0x1] =	stream.linear.gather [hbm4b:s5+s3], $0x2800, $0x38;
	[tilespmem:$0x5580] =	vst v63  }
0x19: {  	_ =	swait.ge [sflag:s11], $0x2800  }
0x1a: {  	[sflag:s11] =	ssyncset.done $0x0  }
0x1b: {  	[sflag:s11] =	ssyncadd.s32 $0xFFFFD800  }
0x1c: {  	[tilespmem:s12], [sflag:$0x2] =	stream.linear.gather [hbm4b:s6+s3], $0x2800, $0x38;
	[tilespmem:$0x5580] =	vst v63  }
0x1d: {  	_ =	swait.ge [sflag:s13], $0x2800  }
0x1e: {  	[sflag:s13] =	ssyncset.done $0x0  }
0x1f: {  	s19 =	simm.s32 @!p0 $0x1C03;
	s20 =	simm.s32 @!p0 $0x3;
	[sflag:s13] =	ssyncadd.s32 $0xFFFFD800  }
0x20: {  	[spmem:s14], [sflag:s19] =	dma.local @!p0 [hbm:s4], $0x500  }
0x21: {  	_ =	swait.ge @!p0 [sflag:s20], $0x500  }
0x22: {  	[sflag:s20] =	ssyncset.done @!p0 $0x0  }
0x23: {  	[sflag:s20] =	ssyncadd.s32 @!p0 $0xFFFFFB00  }
0x24: {  	[spmem:s15], [sflag:s19] =	dma.local @!p0 [hbm:s4], $0x500  }
0x25: {  	_ =	swait.ge @!p0 [sflag:s20], $0x500  }
0x26: {  	[sflag:s20] =	ssyncset.done @!p0 $0x0  }
0x27: {  	[sflag:s20] =	ssyncadd.s32 @!p0 $0xFFFFFB00  }
0x28: {  	s30 =	simm.s32 $0x500;
	[bflag:$0x0] =	sbarrier.arrive $0xFFFF  }
0x29: {  	[spmem:s1] =	stream.indirect.scatter.add.f32 [tilespmem:s17], [sflag:$0x1], $0x1, s30, s16, $0xb8;
	[tilespmem:$0x5580] =	vst v63  }
0x2a: {  	s31 =	simm.s32 $0x2D00  }
0x2b: {  	[spmem:s2] =	stream.indirect.scatter.add.f32 [tilespmem:s17], [sflag:$0x2], $0x1, s31, s16, $0xb8;
	[tilespmem:$0x5580] =	vst v63  }
0x2c: {  	_ =	swait.ge [sflag:s11], $0x80  }
0x2d: {  	[sflag:s11] =	ssyncset.done $0x0  }
0x2e: {  	[sflag:s11] =	ssyncadd.s32 $0xFFFFFF80  }
0x2f: {  	_ =	swait.ge [sflag:s13], $0x80  }
0x30: {  	s19 =	simm.s32 $0x80;
	s20 =	simm.s32 $0x400;
	[sflag:s13] =	ssyncset.done $0x0  }
.LBB2_2:
0x31: {  	s21 =	sadd.s32 $0x500, s19  }
0x32: {  	[sflag:s13] =	ssyncadd.s32 $0xFFFFFF80;
	s22 =	smov.u32 s20;
	s23 =	sadd.s32 $0x200, s20  }
0x33: {  	[spmem:s1] =	stream.indirect.scatter.add.f32 [tilespmem:s17], [sflag:$0x1], $0x1, s21, s16, $0xb8;
	[tilespmem:$0x5580] =	vst v63  }
0x34: {  	p1 =	sne.s32 s20, $0x9E00;
	s19 =	sadd.s32 $0x2D00, s19  }
0x35: {  	[spmem:s2] =	stream.indirect.scatter.add.f32 [tilespmem:s17], [sflag:$0x2], $0x1, s19, s16, $0xb8;
	[tilespmem:$0x5580] =	vst v63  }
.Ltmp0:
0x36: {  	_ =	swait.ge [sflag:s11], $0x80;
	(pc) =	sbr.rel @p1 .LBB2_2-.Ltmp0, $4  }
0x37: {  	[sflag:s11] =	ssyncset.done $0x0  }
0x38: {  	[sflag:s11] =	ssyncadd.s32 $0xFFFFFF80  }
0x39: {  	_ =	swait.ge [sflag:s13], $0x80  }
0x3a: {  	s20 =	smov.u32 s23;
	s19 =	sshra.s32 s22, $0x2;
	[sflag:s13] =	ssyncset.done $0x0  }
0x3b: {  	s20 =	sadd.s32 $0x500, s19;
	[sflag:s13] =	ssyncadd.s32 $0xFFFFFF80  }
0x3c: {  	[spmem:s1] =	stream.indirect.scatter.add.f32 [tilespmem:s17], [sflag:$0x1], $0x1, s20, s16, $0xb8;
	[tilespmem:$0x5580] =	vst v63  }
0x3d: {  	s31 =	sadd.s32 $0x2D00, s19  }
0x3e: {  	[spmem:s2] =	stream.indirect.scatter.add.f32 [tilespmem:s17], [sflag:$0x2], $0x1, s31, s16, $0xb8;
	[tilespmem:$0x5580] =	vst v63  }
0x3f: {  	_ =	swait.ge [sflag:s11], $0x80  }
0x40: {  	[sflag:s11] =	ssyncset.done $0x0  }
0x41: {  	[sflag:s11] =	ssyncadd.s32 $0xFFFFFF80  }
0x42: {  	_ =	swait.ge [sflag:s13], $0x80  }
0x43: {  	[sflag:s13] =	ssyncset.done $0x0  }
0x44: {  	[sflag:s13] =	ssyncadd.s32 $0xFFFFFF80  }
0x45: {  	s19 =	simm.s32 @!p0 $0x1C03;
	s20 =	simm.s32 @!p0 $0x3;
	[bflag:$0x0] =	sbarrier.arrive $0xFFFF  }
0x46: {  	[hbm:s7], [sflag:s19] =	dma.local @!p0 [spmem:s14], $0x500  }
0x47: {  	s18 =	sadd.s32 $0x1, s18;
	_ =	swait.ge @!p0 [sflag:s20], $0x500  }
0x48: {  	p1 =	sne.s32 s18, s9;
	[sflag:s20] =	ssyncset.done @!p0 $0x0  }
.Ltmp1:
0x49: {  	[sflag:s20] =	ssyncadd.s32 @!p0 $0xFFFFFB00;
	(pc) =	sbr.rel @p1 .LBB2_1-.Ltmp1, $4  }
0x4a: {  	[hbm:s8], [sflag:s19] =	dma.local @!p0 [spmem:s15], $0x500  }
0x4b: {  	_ =	swait.ge @!p0 [sflag:s20], $0x500  }
0x4c: {  	[sflag:s20] =	ssyncset.done @!p0 $0x0  }
0x4d: {  	[sflag:s20] =	ssyncadd.s32 @!p0 $0xFFFFFB00  }
0x4e: {  	_ =	sfence.sel $0x180000  }
0x4f: {  	[bflag:$0x0] =	sbarrier.arrive $0xFFFF  }
0x50: {  	_ =	strace $0x90000047  }
0x51: {  	s0 =	sadd.s32 @!p0 $0x100000, s0;
	[bflag:$0x2] =	sbarrier.arrive $0xFFFF  }
0x52: {  	[sflag:s0] =	ssyncadd.tile.s32 @!p0 $0x1;
	_ =	shalt  }
.Lfunc_end2:
_tile_overlayer_lowered:
.L_overlay_start_2:
0x53: {  	(tag) =	ssettag $0x2  }
0x54: {  	s0 =	rddreg [dreg:$0x0];
	s2 =	stileid.u32  }
0x55: {  	s1 =	rddreg [dreg:$0x1];
	p0 =	sne.s32 s2, $0x0  }
0x56: {  	s3 =	rddreg [dreg:$0x2];
	[bflag:$0x3] =	sbarrier.arrive $0xFFFF;
	s2 =	simm.s32 @!p0 $0x1C03  }
0x57: {  	[timem:s3], [sflag:s2] =	dma.local @!p0 [hbm:s0], s1  }
0x58: {  	s0 =	simm.s32 @!p0 $0x3  }
0x59: {  	_ =	swait.ge @!p0 [sflag:s0], s1  }
0x5a: {  	s1 =	ssub.s32 @!p0 $0x0, s1;
	[sflag:s0] =	ssyncset.done @!p0 $0x0  }
0x5b: {  	[sflag:s0] =	ssyncadd.s32 @!p0 s1  }
0x5c: {  	[bflag:$0x3] =	sbarrier.arrive $0xFFFF  }
0x5d: {  	_ =	shalt  }

// kernel: kernel.9.cloned.1.call-start
scs
__scs_entry_jumppad:
0x0: {  	(pc) =	sbr.rel $0x88, $3  }
0x1: {  	(tag) =	ssettag $0x0;
	lr =	simm.s32 $0x1  }
0x2: {  	[smem:$0x3F9D] =	sst lr;
	_ =	strace $0xD0000000  }
0x3: {  	_ = 	snop  }
0x4: {  	_ = 	snop  }
0x5: {  	_ = 	snop  }
0x6: {  	_ = 	snop  }
0x7: {  	_ = 	snop  }
__scs_overlays_trampoline_lowered:
0x8: {  	[smem:$0x3FAC] =	sst s0  }
0x9: {  	[smem:$0x3FAD] =	sst s1  }
0xa: {  	[smem:$0x3FAE] =	sst s2  }
0xb: {  	[smem:$0x3FAF] =	sst s3  }
0xc: {  	[smem:$0x3FB0] =	sst s4  }
0xd: {  	[smem:$0x3FB1] =	sst s5  }
0xe: {  	[smem:$0x3FB2] =	sst s6  }
0xf: {  	[smem:$0x3FB3] =	sst s7  }
0x10: {  	[smem:$0x3FB4] =	sst s8  }
0x11: {  	[smem:$0x3FB5] =	sst s9;
	s0 =	simm.s32 @!p0 $0x0  }
0x12: {  	s1 =	sld [smem:$0x3F9B];
	s0 =	simm.s32 @p0 $0x1  }
0x13: {  	[smem:$0x3FB6] =	sst s0;
	s0 =	simm.s32 @!p1 $0x0  }
0x14: {  	s2 =	sld [smem:$0x3F9A];
	s0 =	simm.s32 @p1 $0x1  }
0x15: {  	[smem:$0x3FB7] =	sst s0;
	s0 =	simm.s32 @!p2 $0x0  }
0x16: {  	s3 =	sld [smem:$0x3FDB];
	s0 =	simm.s32 @p2 $0x1  }
0x17: {  	s4 =	simm.s32 $0x1BF5;
	[smem:$0x3FB9] =	sst s0  }
0x18: {  	s0 =	sld [smem:$0x3F9C];
	_ =	swait.ge [sflag:s4], $0x0  }
0x19: {  	s7 =	sld [smem:$0x3F9D]  }
0x1a: {  	s8 =	sadd.s32 $0xFFFFE003, lr  }
0x1b: {  	s9 =	sadd.s32 $0xFFFFFEF7, lr;
	s5 =	simm.s32 $0xFFFFFFFF;
	p2 =	slt.u32 s8, $0xFFFFF086  }
0x1c: {  	p1 =	slt.u32 s9, $0xF7A;
	s5 =	simm.s32 @!p2 $0x0  }
0x1d: {  	s5 =	simm.s32 @p1 $0x1;
	p0 =	seq.s32 s7, s2  }
0x1e: {  	s7 =	smul.u32 @!p0 $0xF7A, s2;
	p2 =	seq.s32 @!p0 s5, $0x0  }
0x1f: {  	s9 =	smul.u32 $0xF7A, s1;
	s8 =	simm.s32 @!p0 $0x1BF5;
	p2 =	por !p2, p0  }
0x20: {  	[sflag:s8] =	ssyncset.s32 @!p0 $0xFFFFF086;
	s6 =	sadd.s32 @!p0 s3, s7;
	s7 =	simm.s32 @!p0 $0x108  }
0x21: {  	s3 =	sadd.s32 s3, s9;
	s6 =	sadd.s32 @!p0 $0x88, s6;
	s7 =	simm.s32 @p2 $0x1082  }
0x22: {  	[simem:s7], [sflag:s8] =	dma.local @!p0 [hbm:s6], $0xF7A  }
0x23: {  	s9 =	sor.u32 $0xD0000000, s2;
	s6 =	simm.s32 $0x108;
	_ =	swait.ge @!p0 [sflag:s8], $0x0  }
0x24: {  	s3 =	sadd.s32 $0x88, s3;
	s6 =	simm.s32 @!p1 $0x1082;
	[sflag:s4] =	ssyncset.s32 $0xFFFFF086  }
0x25: {  	[simem:s6], [sflag:s4] =	dma.local [hbm:s3], $0xF7A  }
0x26: {  	[smem:$0x3F9D] =	sst s1;
	(tag) =	ssettag s2;
	_ =	strace s9  }
0x27: {  	s1 =	sld [smem:$0x3FAD]  }
0x28: {  	s2 =	sld [smem:$0x3FAE]  }
0x29: {  	s4 =	sld [smem:$0x3FB0]  }
0x2a: {  	p0 =	seq.s32 s5, $0x0;
	s5 =	sld [smem:$0x3FB1]  }
0x2b: {  	s6 =	sld [smem:$0x3FB2]  }
0x2c: {  	s7 =	sld [smem:$0x3FB3]  }
0x2d: {  	s3 =	simm.s32 $0x108;
	s8 =	sld [smem:$0x3FB4]  }
0x2e: {  	s3 =	simm.s32 @!p0 $0x1082;
	s9 =	sld [smem:$0x3FB5]  }
0x2f: {  	lr =	sadd.s32 s0, s3;
	s0 =	sld [smem:$0x3FAC]  }
0x30: {  	s3 =	sld [smem:$0x3FAF]  }
0x31: {  	[smem:$0x3FB8] =	sst s10  }
0x32: {  	s10 =	sld [smem:$0x3FB6];
	_ =	sdelay $0x3  }
0x33: {  	p0 =	seq.s32 s10, $0x1;
	s10 =	sld [smem:$0x3FB8];
	_ =	sdelay $0x3  }
0x34: {  	[smem:$0x3FB8] =	sst s10  }
0x35: {  	s10 =	sld [smem:$0x3FB7];
	_ =	sdelay $0x3  }
0x36: {  	p1 =	seq.s32 s10, $0x1;
	s10 =	sld [smem:$0x3FB8];
	_ =	sdelay $0x3  }
0x37: {  	[smem:$0x3FB8] =	sst s10  }
0x38: {  	s10 =	sld [smem:$0x3FB9]  }
0x39: {  	_ = 	snop;
	(pc) =	sbr.ind lr, $3  }
0x3a: {  	_ = 	snop  }
0x3b: {  	_ = 	snop  }
0x3c: {  	p2 =	seq.s32 s10, $0x1;
	s10 =	sld [smem:$0x3FB8]  }
0x3d: {  	_ =	shalt  }
0x3e: {  	_ =	shalt  }
0x3f: {  	_ =	shalt  }
0x40: {  	_ =	shalt  }
0x41: {  	_ =	shalt  }
0x42: {  	_ =	shalt  }
0x43: {  	_ =	shalt  }
0x44: {  	_ =	shalt  }
0x45: {  	_ =	shalt  }
0x46: {  	_ =	shalt  }
0x47: {  	_ =	shalt  }
0x48: {  	_ =	shalt  }
0x49: {  	_ =	shalt  }
0x4a: {  	_ =	shalt  }
0x4b: {  	_ =	shalt  }
0x4c: {  	_ =	shalt  }
0x4d: {  	_ =	shalt  }
0x4e: {  	_ =	shalt  }
0x4f: {  	_ =	shalt  }
0x50: {  	_ =	shalt  }
0x51: {  	_ =	shalt  }
0x52: {  	_ =	shalt  }
0x53: {  	_ =	shalt  }
0x54: {  	_ =	shalt  }
0x55: {  	_ =	shalt  }
0x56: {  	_ =	shalt  }
0x57: {  	_ =	shalt  }
0x58: {  	_ =	shalt  }
0x59: {  	_ =	shalt  }
0x5a: {  	_ =	shalt  }
0x5b: {  	_ =	shalt  }
0x5c: {  	_ =	shalt  }
0x5d: {  	_ =	shalt  }
0x5e: {  	_ =	shalt  }
0x5f: {  	_ =	shalt  }
0x60: {  	_ =	shalt  }
0x61: {  	_ =	shalt  }
0x62: {  	_ =	shalt  }
0x63: {  	_ =	shalt  }
0x64: {  	_ =	shalt  }
0x65: {  	_ =	shalt  }
0x66: {  	_ =	shalt  }
0x67: {  	_ =	shalt  }
0x68: {  	_ =	shalt  }
0x69: {  	_ =	shalt  }
0x6a: {  	_ =	shalt  }
0x6b: {  	_ =	shalt  }
0x6c: {  	_ =	shalt  }
0x6d: {  	_ =	shalt  }
0x6e: {  	_ =	shalt  }
0x6f: {  	_ =	shalt  }
0x70: {  	_ =	shalt  }
0x71: {  	_ =	shalt  }
0x72: {  	_ =	shalt  }
0x73: {  	_ =	shalt  }
0x74: {  	_ =	shalt  }
0x75: {  	_ =	shalt  }
0x76: {  	_ =	shalt  }
0x77: {  	_ =	shalt  }
0x78: {  	_ =	shalt  }
0x79: {  	_ =	shalt  }
0x7a: {  	_ =	shalt  }
0x7b: {  	_ =	shalt  }
0x7c: {  	_ =	shalt  }
0x7d: {  	_ =	shalt  }
0x7e: {  	_ =	shalt  }
0x7f: {  	_ =	shalt  }
0x80: {  	_ =	shalt  }
0x81: {  	_ =	shalt  }
0x82: {  	_ =	shalt  }
0x83: {  	_ =	shalt  }
0x84: {  	_ =	shalt  }
0x85: {  	_ =	shalt  }
0x86: {  	_ =	shalt  }
0x87: {  	_ =	shalt  }
.Lfunc_end0:
.L_simem_size_0:
called_computation.1_lowered:
.L_overlay_start_0:
0x88: {  	s2 =	sld [smem:$0x3FD9]  }
0x89: {  	s3 =	sld [smem:$0x3FFE];
	_ =	sdelay $0x1  }
0x8a: {  	s1 =	srdreg.scid  }
0x8b: {  	s0 =	sand.u32 $0x1, s1  }
0x8c: {  	s17 =	sshll.u32 s0, $0xA;
	s2 =	sadd.s32 s3, s2  }
0x8d: {  	s2 =	sadd.s32 s2, s17  }
0x8e: {  	[smem:$0x3FC4] =	sst s2  }
0x8f: {  	_ = 	snop  }
0x90: {  	s2 =	sld [smem:$0x3FD0];
	(tm) =	ssettm $0x1  }
0x91: {  	s18 =	sld [smem:$0x3FFB];
	_ =	sdelay $0x3  }
0x92: {  	_ =	strace s18  }
0x93: {  	s3 =	sld [smem:$0x3FFC];
	_ =	sdelay $0x3  }
0x94: {  	_ =	strace s3  }
0x95: {  	s3 =	sld [smem:$0x3FFD];
	_ =	sdelay $0x3  }
0x96: {  	_ =	strace s3  }
0x97: {  	_ =	strace $0x8FFFFFFF  }
0x98: {  	s19 =	sld [smem:$0x3FDB];
	_ =	sdelay $0x1  }
0x99: {  	s4 =	simm.s32 $_scs_section_size  }
0x9a: {  	s5 =	simm.s32 $_size__tile_overlayer_lowered;
	s6 =	simm.s32 $_tile_overlayer_lowered  }
0x9b: {  	s22 =	simm.s32 $0x1BFF;
	s21 =	sshll.u32 s6, $0x1;
	s3 =	sadd.s32 s4, s19  }
0x9c: {  	s7 =	simm.s32 $0x0;
	s20 =	sshll.u32 s5, $0x1;
	s5 =	sadd.s32 s21, s3  }
0x9d: {  	[timem:s7], [sflag:s22] =	dma.local [hbm:s5], s20  }
0x9e: {  	_ =	swait.ge [sflag:s22], s20  }
0x9f: {  	s4 =	ssub.s32 $0x0, s20;
	[sflag:s22] =	ssyncset.done $0x0  }
0xa0: {  	[sflag:s22] =	ssyncadd.s32 s4;
	_ =	sdelay $0x1  }
0xa1: {  	s23 =	simm.s32 $0x1B8B  }
0xa2: {  	_ =	swait.ge [sflag:s23], $0x1  }
0xa3: {  	[sflag:s23] =	ssyncset.done $0x0  }
0xa4: {  	s25 =	simm.s32 $0x1B8E;
	s24 =	sld [smem:$0x3FFE];
	[sflag:s23] =	ssyncadd.s32 $0xFFFFFFFF  }
0xa5: {  	s26 =	simm.s32 $execute0_lowered;
	[smem:$0x3FD2] =	sst s25  }
0xa6: {  	s5 =	sshll.u32 s26, $0x1;
	_ =	strace $0x80000049;
	[dreg:$0x1] =	wrdreg $0xFFFFFFFF  }
0xa7: {  	s28 =	simm.s32 $_size_execute0_lowered;
	s3 =	sadd.s32 s3, s5;
	[dreg:$0x0] =	wrdreg $0x0  }
0xa8: {  	s5 =	sshll.u32 s28, $0x1;
	[dreg:$0x2] =	wrdreg s3  }
0xa9: {  	[dreg:$0x3] =	wrdreg s5  }
0xaa: {  	[dreg:$0x4] =	wrdreg $0xC0  }
0xab: {  	_ =	task [dreg:s7], $0x5FFFF  }
0xac: {  	[dreg:$0x1] =	wrdreg $0xFFFFFFFF  }
0xad: {  	[dreg:$0x0] =	wrdreg $0x60  }
0xae: {  	[dreg:$0x2] =	wrdreg s2  }
0xaf: {  	[dreg:$0x3] =	wrdreg s24  }
0xb0: {  	[dreg:$0x4] =	wrdreg $0x0  }
0xb1: {  	[dreg:$0x5] =	wrdreg $0x9  }
0xb2: {  	_ =	task.clear_ibuf [dreg:s7], $0x6FFFF;
	_ =	strace $0x90000049  }
0xb3: {  	s29 =	simm.s32 $0x9;
	_ =	strace $0x8000004B  }
0xb4: {  	_ =	swait.ge [sflag:s29], $0x1  }
0xb5: {  	[sflag:s29] =	ssyncadd.s32 $0xFFFFFFFF  }
0xb6: {  	_ =	strace $0x9000004B  }
0xb7: {  	_ =	sfence  }
0xb8: {  	s30 =	sld [smem:$0x0];
	_ =	sdelay $0x2  }
0xb9: {  	s31 =	sshll.u32 s1, $0xD;
	s1 =	sshrl.u32 s1, $0x2  }
0xba: {  	s3 =	sand.u32 $0x4000, s31;
	s1 =	sadd.s32 s1, s30  }
0xbb: {  	s0 =	sor.u32 s3, s0;
	s1 =	sshll.u32 s1, $0x11  }
0xbc: {  	s0 =	sor.u32 s1, s0  }
0xbd: {  	s0 =	sadd.s32 $0x8F2B, s0  }
0xbe: {  	[sflag:s0] =	ssyncadd.remote.s32 $0x1  }
0xbf: {  	_ =	sfence.sel $0xFFFF  }
0xc0: {  	[dreg:$0x0] =	wrdreg $0xFFFFFFFF;
	(pc) =	sbr.abs _section_cstart, $3  }
0xc1: {  	[dreg:$0x1] =	wrdreg $0xFFFFFFFF  }
0xc2: {  	_ =	task.clear_ibuf [dreg:s7], $0x2FFFF;
	_ =	strace $0x9FFFFFFF  }
0xc3: {  	(tm) =	ssettm $0x7FFFFFFF  }
tec
execute0_lowered:
.L_overlay_start_1:
0x0: {  	(tag) =	ssettag $0x1  }
0x1: {  	s1 =	rddreg [dreg:$0x0]  }
0x2: {  	s2 =	srdreg.scid;
	s6 =	rddreg [dreg:$0x1]  }
0x3: {  	s0 =	stileid.u32;
	s3 =	rddreg [dreg:$0x2]  }
0x4: {  	s4 =	simm.s32 $0x0;
	s17 =	simm.s32 $0x1;
	s18 =	simm.s32 $0x2  }
0x5: {  	s19 =	simm.s32 $0x80;
	s20 =	simm.s32 $0x174C0;
	s21 =	simm.s32 $0x1B4C0  }
0x6: {  	s22 =	simm.s32 $0x3;
	s23 =	simm.s32 $0x16040;
	s24 =	simm.s32 $0x173C0  }
0x7: {  	s25 =	simm.s32 $0x17440;
	s26 =	simm.s32 $0x0;
	s7 =	sand.u32 $0x1, s2  }
0x8: {  	s29 =	sshll.u32 s0, $0x1;
	s2 =	rddreg [dreg:$0x3];
	s10 =	smul.u32 $0x4E000, s0  }
0x9: {  	[smem:$0x7FF] =	sst s4;
	s13 =	sadd.s32 $0xB4000, s6;
	s30 =	smul.u32 $0x13800, s0  }
0xa: {  	s14 =	sadd.s32 $0x124800, s3;
	p0 =	seq.s32 s0, $0xF;
	s5 =	sor.u32 s7, s29  }
0xb: {  	_ =	strace $0x8000004A;
	s9 =	ssub.s32 $0x2, s7;
	s12 =	smul.u32 $0x138800, s7  }
0xc: {  	s14 =	sshrl.u32 @p0 s14, $0x3;
	s15 =	sshll.u32 @!p0 s0, $0x6;
	s5 =	smul.u32 $0x2800, s5  }
0xd: {  	s11 =	sshrl.u32 s9, $0x1;
	s10 =	sshrl.u32 s10, $0x2;
	s15 =	sor.u32 @!p0 $0x1C03, s15  }
0xe: {  	s11 =	ssub.s32 s9, s11;
	s16 =	sadd.s32 s10, s3;
	s9 =	sadd.s32 s30, s12  }
0xf: {  	s31 =	sshrl.u32 s12, $0x3;
	s12 =	simm.s32 $0x138C0;
	s5 =	sshrl.u32 s5, $0x3  }
0x10: {  	s9 =	sshrl.u32 s9, $0x3;
	s10 =	sadd.s32 s13, s31;
	s11 =	smax.u32 s11, $0x1  }
0x11: {  	s16 =	sshrl.u32 @!p0 s16, $0x3;
	s8 =	sadd.s32 s5, s6;
	s5 =	sadd.s32 $0xB1600, s6  }
0x12: {  	s9 =	sadd.s32 s13, s9;
	s10 =	sadd.s32 $0x24900, s10;
	s13 =	simm.s32 $0x160C0  }
0x13: {  	s6 =	sadd.s32 $0x1200, s8;
	s7 =	sadd.s32 $0xB200, s8;
	s8 =	sadd.s32 $0xB480, s8  }
.LBB2_1:
0x14: {  	[tilespmem:s12], [sflag:$0x1] =	stream.linear.gather [hbm4b:s6+s4], $0x2800, $0x38;
	[tilespmem:$0x1F4C0] =	vst v63  }
0x15: {  	s28 =	simm.s32 @p0 $0x1FC3  }
0x16: {  	[tilespmem:s13], [sflag:$0x2] =	stream.linear.gather [hbm4b:s7+s4], $0x1400, $0x38;
	[tilespmem:$0x1F4C0] =	vst v63  }
0x17: {  	[spmem:s14], [sflag:s28] =	dma.local @p0 [hbm:s5], $0x2880  }
0x18: {  	s28 =	simm.s32 @p0 $0x3  }
0x19: {  	_ =	swait.ge @p0 [sflag:s28], $0x2880  }
0x1a: {  	[sflag:s28] =	ssyncset.done @p0 $0x0  }
0x1b: {  	[sflag:s28] =	ssyncadd.s32 @p0 $0xFFFFD780;
	s28 =	simm.s32 @!p0 $0x3  }
0x1c: {  	[spmem:s16], [sflag:s15] =	dma.local @!p0 [hbm:s5], $0x2700  }
0x1d: {  	_ =	swait.ge @!p0 [sflag:s28], $0x2700  }
0x1e: {  	[sflag:s28] =	ssyncset.done @!p0 $0x0  }
0x1f: {  	[sflag:s28] =	ssyncadd.s32 @!p0 $0xFFFFD900  }
0x20: {  	_ =	swait.ge [sflag:s17], $0x2800  }
0x21: {  	[sflag:s17] =	ssyncset.done $0x0  }
0x22: {  	[sflag:s17] =	ssyncadd.s32 $0xFFFFD800  }
0x23: {  	_ =	swait.ge [sflag:s18], $0x1400  }
0x24: {  	[sflag:s18] =	ssyncset.done $0x0  }
0x25: {  	[sflag:s18] =	ssyncadd.s32 $0xFFFFEC00  }
0x26: {  	[bflag:$0x0] =	sbarrier.arrive $0xFFFF  }
0x27: {  	[tilespmem:s20], [sflag:$0x1] =	stream.indirect.gather [hbm4b:s1+s19], $0x80, s12, s19, $0xb8;
	[tilespmem:$0x1F4C0] =	vst v63  }
0x28: {  	_ =	swait.ge [sflag:s17], $0x4000  }
0x29: {  	[sflag:s17] =	ssyncset.done $0x0  }
0x2a: {  	s28 =	simm.s32 $0x13940;
	[sflag:s17] =	ssyncadd.s32 $0xFFFFC000  }
0x2b: {  	[tilespmem:s21], [sflag:$0x2] =	stream.indirect.gather [hbm4b:s1+s19], $0x80, s28, s19, $0xb8;
	[tilespmem:$0x1F4C0] =	vst v63  }
0x2c: {  	s28 =	simm.s32 $0x160C0  }
0x2d: {  	[spmem:s3] =	stream.indirect.scatter.add.f32 [tilespmem:s20], [sflag:$0x3], $0x80, s28, s19, $0xb8;
	[tilespmem:$0x1F4C0] =	vst v63  }
0x2e: {  	_ =	swait.ge [sflag:s22], $0x4000  }
0x2f: {  	[sflag:s22] =	ssyncset.done $0x0  }
0x30: {  	[sflag:s22] =	ssyncadd.s32 $0xFFFFC000  }
0x31: {  	_ =	swait.ge [sflag:s18], $0x4000  }
0x32: {  	[sflag:s18] =	ssyncset.done $0x0  }
0x33: {  	s28 =	simm.s32 $0x139C0;
	[sflag:s18] =	ssyncadd.s32 $0xFFFFC000  }
0x34: {  	[tilespmem:s20], [sflag:$0x1] =	stream.indirect.gather [hbm4b:s1+s19], $0x80, s28, s19, $0xb8;
	[tilespmem:$0x1F4C0] =	vst v63  }
0x35: {  	s28 =	simm.s32 $0x16140  }
0x36: {  	[spmem:s3] =	stream.indirect.scatter.add.f32 [tilespmem:s21], [sflag:$0x3], $0x80, s28, s19, $0xb8;
	[tilespmem:$0x1F4C0] =	vst v63  }
0x37: {  	_ =	swait.ge [sflag:s22], $0x4000  }
0x38: {  	s28 =	simm.s32 $0x400;
	[sflag:s22] =	ssyncset.done $0x0  }
.LBB2_2:
0x39: {  	p1 =	sne.s32 s28, $0x4C00  }
0x3a: {  	[sflag:s22] =	ssyncadd.s32 $0xFFFFC000;
	s29 =	smov.u32 s28;
	s28 =	sadd.s32 $0x400, s28  }
0x3b: {  	_ = 	snop  }
0x3c: {  	_ =	swait.ge [sflag:s17], $0x4000  }
0x3d: {  	s29 =	sshra.s32 s29, $0x2;
	[sflag:s17] =	ssyncset.done $0x0  }
0x3e: {  	s30 =	sadd.s32 $0x13940, s29;
	[sflag:s17] =	ssyncadd.s32 $0xFFFFC000  }
0x3f: {  	[tilespmem:s21], [sflag:$0x2] =	stream.indirect.gather [hbm4b:s1+s19], $0x80, s30, s19, $0xb8;
	[tilespmem:$0x1F4C0] =	vst v63  }
0x40: {  	s30 =	sadd.s32 $0x160C0, s29  }
0x41: {  	[spmem:s3] =	stream.indirect.scatter.add.f32 [tilespmem:s20], [sflag:$0x3], $0x80, s30, s19, $0xb8;
	[tilespmem:$0x1F4C0] =	vst v63  }
0x42: {  	_ =	swait.ge [sflag:s22], $0x4000  }
0x43: {  	[sflag:s22] =	ssyncset.done $0x0  }
0x44: {  	[sflag:s22] =	ssyncadd.s32 $0xFFFFC000  }
0x45: {  	_ =	swait.ge [sflag:s18], $0x4000  }
0x46: {  	[sflag:s18] =	ssyncset.done $0x0  }
0x47: {  	s30 =	sadd.s32 $0x139C0, s29;
	[sflag:s18] =	ssyncadd.s32 $0xFFFFC000  }
0x48: {  	[tilespmem:s20], [sflag:$0x1] =	stream.indirect.gather [hbm4b:s1+s19], $0x80, s30, s19, $0xb8;
	[tilespmem:$0x1F4C0] =	vst v63  }
.Ltmp0:
0x49: {  	_ = 	snop;
	(pc) =	sbr.rel @p1 .LBB2_2-.Ltmp0, $4  }
0x4a: {  	s29 =	sadd.s32 $0x16140, s29  }
0x4b: {  	[spmem:s3] =	stream.indirect.scatter.add.f32 [tilespmem:s21], [sflag:$0x3], $0x80, s29, s19, $0xb8;
	[tilespmem:$0x1F4C0] =	vst v63  }
0x4c: {  	_ =	swait.ge [sflag:s22], $0x4000  }
0x4d: {  	[sflag:s22] =	ssyncset.done $0x0  }
0x4e: {  	[sflag:s22] =	ssyncadd.s32 $0xFFFFC000;
	s28 =	simm.s32 $0x0  }
0x4f: {  	[tilespmem:s13], [sflag:$0x3] =	stream.linear.gather [hbm4b:s8+s28], $0x1400, $0x38;
	[tilespmem:$0x1F4C0] =	vst v63  }
0x50: {  	_ =	swait.ge [sflag:s22], $0x1400  }
0x51: {  	[sflag:s22] =	ssyncset.done $0x0  }
0x52: {  	[sflag:s22] =	ssyncadd.s32 $0xFFFFEC00  }
0x53: {  	_ =	swait.ge [sflag:s17], $0x4000  }
0x54: {  	[sflag:s17] =	ssyncset.done $0x0  }
0x55: {  	s28 =	simm.s32 $0x14D40;
	[sflag:s17] =	ssyncadd.s32 $0xFFFFC000  }
0x56: {  	[tilespmem:s21], [sflag:$0x2] =	stream.indirect.gather [hbm4b:s1+s19], $0x80, s28, s19, $0xb8;
	[tilespmem:$0x1F4C0] =	vst v63  }
0x57: {  	s28 =	simm.s32 $0x160C0  }
0x58: {  	[spmem:s3] =	stream.indirect.scatter.add.f32 [tilespmem:s20], [sflag:$0x3], $0x80, s28, s19, $0xb8;
	[tilespmem:$0x1F4C0] =	vst v63  }
0x59: {  	_ =	swait.ge [sflag:s22], $0x4000  }
0x5a: {  	[sflag:s22] =	ssyncset.done $0x0  }
0x5b: {  	[sflag:s22] =	ssyncadd.s32 $0xFFFFC000  }
0x5c: {  	_ =	swait.ge [sflag:s18], $0x4000  }
0x5d: {  	[sflag:s18] =	ssyncset.done $0x0  }
0x5e: {  	s28 =	simm.s32 $0x14DC0;
	[sflag:s18] =	ssyncadd.s32 $0xFFFFC000  }
0x5f: {  	[tilespmem:s20], [sflag:$0x1] =	stream.indirect.gather [hbm4b:s1+s19], $0x80, s28, s19, $0xb8;
	[tilespmem:$0x1F4C0] =	vst v63  }
0x60: {  	s28 =	simm.s32 $0x16140  }
0x61: {  	[spmem:s3] =	stream.indirect.scatter.add.f32 [tilespmem:s21], [sflag:$0x3], $0x80, s28, s19, $0xb8;
	[tilespmem:$0x1F4C0] =	vst v63  }
0x62: {  	_ =	swait.ge [sflag:s22], $0x4000  }
0x63: {  	s28 =	simm.s32 $0x400;
	[sflag:s22] =	ssyncset.done $0x0  }
.LBB2_4:
0x64: {  	p1 =	sne.s32 s28, $0x4800  }
0x65: {  	[sflag:s22] =	ssyncadd.s32 $0xFFFFC000;
	s29 =	smov.u32 s28;
	s28 =	sadd.s32 $0x400, s28  }
0x66: {  	_ = 	snop  }
0x67: {  	_ =	swait.ge [sflag:s17], $0x4000  }
0x68: {  	s29 =	sshra.s32 s29, $0x2;
	[sflag:s17] =	ssyncset.done $0x0  }
0x69: {  	s30 =	sadd.s32 $0x14D40, s29;
	[sflag:s17] =	ssyncadd.s32 $0xFFFFC000  }
0x6a: {  	[tilespmem:s21], [sflag:$0x2] =	stream.indirect.gather [hbm4b:s1+s19], $0x80, s30, s19, $0xb8;
	[tilespmem:$0x1F4C0] =	vst v63  }
0x6b: {  	s30 =	sadd.s32 $0x160C0, s29  }
0x6c: {  	[spmem:s3] =	stream.indirect.scatter.add.f32 [tilespmem:s20], [sflag:$0x3], $0x80, s30, s19, $0xb8;
	[tilespmem:$0x1F4C0] =	vst v63  }
0x6d: {  	_ =	swait.ge [sflag:s22], $0x4000  }
0x6e: {  	[sflag:s22] =	ssyncset.done $0x0  }
0x6f: {  	[sflag:s22] =	ssyncadd.s32 $0xFFFFC000  }
0x70: {  	_ =	swait.ge [sflag:s18], $0x4000  }
0x71: {  	[sflag:s18] =	ssyncset.done $0x0  }
0x72: {  	s30 =	sadd.s32 $0x14DC0, s29;
	[sflag:s18] =	ssyncadd.s32 $0xFFFFC000  }
0x73: {  	[tilespmem:s20], [sflag:$0x1] =	stream.indirect.gather [hbm4b:s1+s19], $0x80, s30, s19, $0xb8;
	[tilespmem:$0x1F4C0] =	vst v63  }
.Ltmp1:
0x74: {  	_ = 	snop;
	(pc) =	sbr.rel @p1 .LBB2_4-.Ltmp1, $4  }
0x75: {  	s29 =	sadd.s32 $0x16140, s29  }
0x76: {  	[spmem:s3] =	stream.indirect.scatter.add.f32 [tilespmem:s21], [sflag:$0x3], $0x80, s29, s19, $0xb8;
	[tilespmem:$0x1F4C0] =	vst v63  }
0x77: {  	_ =	swait.ge [sflag:s22], $0x4000  }
0x78: {  	[sflag:s22] =	ssyncset.done $0x0  }
0x79: {  	[sflag:s22] =	ssyncadd.s32 $0xFFFFC000  }
0x7a: {  	_ =	swait.ge [sflag:s17], $0x4000  }
0x7b: {  	[sflag:s17] =	ssyncset.done $0x0  }
0x7c: {  	[sflag:s17] =	ssyncadd.s32 $0xFFFFC000  }
0x7d: {  	[tilespmem:s21], [sflag:$0x2] =	stream.indirect.gather [hbm4b:s1+s19], $0x80, s23, s19, $0xb8;
	[tilespmem:$0x1F4C0] =	vst v63  }
0x7e: {  	_ = 	snop  }
0x7f: {  	[spmem:s3] =	stream.indirect.scatter.add.f32 [tilespmem:s20], [sflag:$0x3], $0x80, s24, s19, $0xb8;
	[tilespmem:$0x1F4C0] =	vst v63  }
0x80: {  	_ =	swait.ge [sflag:s22], $0x4000  }
0x81: {  	[sflag:s22] =	ssyncset.done $0x0  }
0x82: {  	[sflag:s22] =	ssyncadd.s32 $0xFFFFC000  }
0x83: {  	_ =	swait.ge [sflag:s18], $0x4000  }
0x84: {  	[sflag:s18] =	ssyncset.done $0x0  }
0x85: {  	[sflag:s18] =	ssyncadd.s32 $0xFFFFC000  }
0x86: {  	[spmem:s3] =	stream.indirect.scatter.add.f32 [tilespmem:s21], [sflag:$0x3], $0x80, s25, s19, $0xb8;
	[tilespmem:$0x1F4C0] =	vst v63  }
0x87: {  	_ =	swait.ge [sflag:s22], $0x4000  }
0x88: {  	[sflag:s22] =	ssyncset.done $0x0  }
0x89: {  	[sflag:s22] =	ssyncadd.s32 $0xFFFFC000  }
0x8a: {  	s28 =	simm.s32 @p0 $0x1FC3;
	[bflag:$0x0] =	sbarrier.arrive $0xFFFF  }
0x8b: {  	[hbm:s10], [sflag:s28] =	dma.local @p0 [spmem:s14], $0x2800  }
0x8c: {  	s28 =	simm.s32 @p0 $0x3  }
0x8d: {  	s26 =	sadd.s32 $0x1, s26;
	_ =	swait.ge @p0 [sflag:s28], $0x2800  }
0x8e: {  	p1 =	sne.s32 s26, s11;
	[sflag:s28] =	ssyncset.done @p0 $0x0  }
.Ltmp2:
0x8f: {  	[sflag:s28] =	ssyncadd.s32 @p0 $0xFFFFD800;
	s28 =	simm.s32 @!p0 $0x3;
	(pc) =	sbr.rel @p1 .LBB2_1-.Ltmp2, $4  }
0x90: {  	[hbm:s9], [sflag:s15] =	dma.local @!p0 [spmem:s16], $0x2700  }
0x91: {  	_ =	swait.ge @!p0 [sflag:s28], $0x2700  }
0x92: {  	[sflag:s28] =	ssyncset.done @!p0 $0x0  }
0x93: {  	[sflag:s28] =	ssyncadd.s32 @!p0 $0xFFFFD900  }
0x94: {  	_ =	sfence.sel $0x180000  }
0x95: {  	[bflag:$0x0] =	sbarrier.arrive $0xFFFF  }
0x96: {  	p0 =	sne.s32 s0, $0x0;
	_ =	strace $0x9000004A  }
0x97: {  	s0 =	sadd.s32 @!p0 $0x100000, s2;
	[bflag:$0x2] =	sbarrier.arrive $0xFFFF  }
0x98: {  	[sflag:s0] =	ssyncadd.tile.s32 @!p0 $0x1;
	_ =	shalt  }
.Lfunc_end2:
_tile_overlayer_lowered:
.L_overlay_start_2:
0x99: {  	(tag) =	ssettag $0x2  }
0x9a: {  	s0 =	rddreg [dreg:$0x0];
	s2 =	stileid.u32  }
0x9b: {  	s1 =	rddreg [dreg:$0x1];
	p0 =	sne.s32 s2, $0x0  }
0x9c: {  	s3 =	rddreg [dreg:$0x2];
	[bflag:$0x3] =	sbarrier.arrive $0xFFFF;
	s2 =	simm.s32 @!p0 $0x1C03  }
0x9d: {  	[timem:s3], [sflag:s2] =	dma.local @!p0 [hbm:s0], s1  }
0x9e: {  	s0 =	simm.s32 @!p0 $0x3  }
0x9f: {  	_ =	swait.ge @!p0 [sflag:s0], s1  }
0xa0: {  	s1 =	ssub.s32 @!p0 $0x0, s1;
	[sflag:s0] =	ssyncset.done @!p0 $0x0  }
0xa1: {  	[sflag:s0] =	ssyncadd.s32 @!p0 s1  }
0xa2: {  	[bflag:$0x3] =	sbarrier.arrive $0xFFFF  }
0xa3: {  	_ =	shalt  }

</sc_bundles>
